<compile_context>
chip_gen: v7x
topology: tpu7x:2x2x1
jax: 0.10.2.dev20260603
libtpu: 0.0.44.dev20260713+nightly
codegen_flags: <defaults>
</compile_context>

<pallas_src>
import functools
import math

import jax
import jax.numpy as jnp
from jax import lax
from jax.experimental import pallas as pl
from jax.experimental.pallas import tpu as pltpu
from jax.experimental.pallas import tpu_sc as plsc

B, T, L = 4, 2, 4096
V, D = 100000, 128
EPS = 1e-12

NC, NS = 2, 16
NW = NC * NS
N_ROWS = B * T * L
ROWS_PER_W = N_ROWS // NW
OUT_ROWS_PER_W = (B * L) // NW
CH = 128
NCHUNK = ROWS_PER_W // CH
CPH = NCHUNK // T
NBUF = 6
DEPTH = 3

BLK = 4096
NBLK = (B * L) // BLK
BPB = L // BLK


def _sc_gather_body(hh, n_splits, table_hbm, ids_hbm, out_hbm, idx_v,
                    *bufs_and_sems):
    out_rows = (B * L) // n_splits
    rows_per_w = out_rows // NW
    nchunk = (rows_per_w * T) // CH
    cph = nchunk // T
    bufs = bufs_and_sems[:NBUF]
    gsems = bufs_and_sems[NBUF:2 * NBUF]
    ssems = bufs_and_sems[2 * NBUF:3 * NBUF]
    isem = bufs_and_sems[3 * NBUF]
    wid = lax.axis_index("s") * NC + lax.axis_index("c")
    row_base = wid * rows_per_w
    grow_base = hh * out_rows + wid * rows_per_w
    b_idx = grow_base // L
    l_base = grow_base % L
    ihandles = []
    for cc in range(nchunk):
        h, c = cc // cph, cc % cph
        ihandles.append(pltpu.async_copy(
            ids_hbm.at[b_idx, h, pl.ds(l_base + c * CH, CH)],
            idx_v.at[cc], isem))
    for hnd in ihandles:
        hnd.wait()
    ghandles = [None] * NBUF
    shandles = [None] * NBUF
    for cc in range(nchunk + DEPTH):
        if cc < nchunk:
            bi = cc % NBUF
            if cc >= NBUF:
                shandles[bi].wait()
            ghandles[bi] = pltpu.async_copy(
                table_hbm.at[idx_v.at[cc]], bufs[bi], gsems[bi])
        d = cc - DEPTH
        if 0 <= d < nchunk:
            bj = d % NBUF
            ghandles[bj].wait()
            h, c = d // cph, d % cph
            shandles[bj] = pltpu.async_copy(
                bufs[bj],
                out_hbm.at[pl.ds(row_base + c * CH, CH), pl.ds(h * D, D)],
                ssems[bj])
    for d in range(max(0, nchunk - NBUF), nchunk):
        shandles[d % NBUF].wait()


@functools.cache
def _build_sc_gather(hh, n_splits):
    out_rows = (B * L) // n_splits
    nchunk = (out_rows // NW * T) // CH
    return pl.kernel(
        functools.partial(_sc_gather_body, hh, n_splits),
        mesh=plsc.VectorSubcoreMesh(core_axis_name="c", subcore_axis_name="s"),
        out_type=jax.ShapeDtypeStruct((out_rows, T * D), jnp.float32),
        scratch_types=[
            pltpu.VMEM((nchunk, CH), jnp.int32),
        ] + [pltpu.VMEM((CH, D), jnp.float32) for _ in range(NBUF)]
          + [pltpu.SemaphoreType.DMA for _ in range(2 * NBUF + 1)],
    )


def _norm_body(ts_ref, tt_ref, g_ref, type_ref, w1_ref, b1_ref, w2_ref,
               b2_ref, gamma_ref, beta_ref, out_ref, scr_ref):
    i = pl.program_id(0)

    @pl.when(i == 0)
    def _mlp():
        t_all = ts_ref[:, 0, :]
        col = lax.broadcasted_iota(jnp.int32, (B, D), 1)
        is_cos = col < (D // 2)
        k = jnp.where(is_cos, col, col - D // 2).astype(jnp.float32)
        freqs = jnp.exp((-math.log(10000.0) / (D // 2)) * k)
        args = t_all * freqs
        te = jnp.where(is_cos, jnp.cos(args), jnp.sin(args))
        h = jnp.dot(te, w1_ref[...], preferred_element_type=jnp.float32) + b1_ref[...]
        h = h * jax.nn.sigmoid(h)
        trow = jnp.dot(h, w2_ref[...], preferred_element_type=jnp.float32) + b2_ref[...]
        scr_ref[...] = trow + type_ref[0:1, :]

    b = i // BPB
    base_row = scr_ref[pl.ds(b, 1), :]
    dty = type_ref[1:2, :] - type_ref[0:1, :]
    g = g_ref[...]
    tt = tt_ref[0]
    half0 = g[:, :D] + base_row + tt[:, 0:1] * dty
    half1 = g[:, D:] + base_row + tt[:, 1:2] * dty
    emb = jnp.concatenate([half0, half1], axis=-1)
    mu = jnp.mean(emb, axis=-1, keepdims=True)
    dev = emb - mu
    var = jnp.mean(dev * dev, axis=-1, keepdims=True)
    out_ref[0] = dev * lax.rsqrt(var + EPS) * gamma_ref[...] + beta_ref[...]


_norm = pl.pallas_call(
    _norm_body,
    grid=(NBLK,),
    in_specs=[
        pl.BlockSpec((B, 1, D), lambda i: (0, 0, 0)),
        pl.BlockSpec((1, BLK, T), lambda i: (i, 0, 0)),
        pl.BlockSpec((BLK, T * D), lambda i: (i, 0)),
        pl.BlockSpec((2, D), lambda i: (0, 0)),
        pl.BlockSpec((D, D), lambda i: (0, 0)),
        pl.BlockSpec((1, D), lambda i: (0, 0)),
        pl.BlockSpec((D, D), lambda i: (0, 0)),
        pl.BlockSpec((1, D), lambda i: (0, 0)),
        pl.BlockSpec((1, T * D), lambda i: (0, 0)),
        pl.BlockSpec((1, T * D), lambda i: (0, 0)),
    ],
    out_specs=pl.BlockSpec((1, BLK, T * D), lambda i: (i // BPB, i % BPB, 0)),
    out_shape=jax.ShapeDtypeStruct((B, L, T * D), jnp.float32),
    scratch_shapes=[pltpu.VMEM((B, D), jnp.float32)],
)


def kernel(input_ids, token_type_ids, timesteps, word_emb, type_emb,
           W1, b1, W2, b2, gamma, beta):
    ids = input_ids.astype(jnp.int32)
    tt3 = jnp.transpose(token_type_ids, (0, 2, 1)).astype(jnp.float32).reshape(NBLK, BLK, T)
    ts_b = jnp.broadcast_to(
        timesteps.astype(jnp.float32)[:, None], (B, D)).reshape(B, 1, D)
    gathered = _build_sc_gather(0, 1)(word_emb, ids)
    return _norm(ts_b, tt3, gathered, type_emb, W1.T, b1.reshape(1, D),
                 W2.T, b2.reshape(1, D), gamma.reshape(1, T * D),
                 beta.reshape(1, T * D))

# --- scband reference (transcript-rebuilt; emitter-appended) ---
"""Pipeline reference for scband-diffusion-ro-former-embeddings-26044681683379 (READ-ONLY COPY).

The authoritative reference and input builder live on the scoring server;
editing this copy changes nothing except your own understanding.
"""

import math
import jax, jax.numpy as jnp
import numpy as np

B, T, L = 4, 2, 4096
V, D = 100000, 128
TYPE_V = 2
EPS = 1e-12


def timestep_embedding(timesteps, dim, max_period=10000):
    half = dim // 2
    freqs = jnp.exp(-math.log(max_period) * jnp.arange(0, half, dtype=jnp.float32) / half)
    args = timesteps[:, None].astype(jnp.float32) * freqs[None]
    emb = jnp.concatenate([jnp.cos(args), jnp.sin(args)], axis=-1)
    return emb


def setup_inputs(seed: int = 0) -> dict:
    key = jax.random.key(seed)
    ks = jax.random.split(key, 10)
    return {
        "input_ids": jax.random.randint(ks[0], (B, T, L), 0, V, dtype=jnp.int64 if jax.config.jax_enable_x64 else jnp.int32),
        "token_type_ids": jax.random.randint(ks[1], (B, T, L), 0, TYPE_V, dtype=jnp.int64 if jax.config.jax_enable_x64 else jnp.int32),
        "timesteps": jax.random.randint(ks[2], (B,), 0, 1000, dtype=jnp.int64 if jax.config.jax_enable_x64 else jnp.int32),
        "word_emb": jax.random.normal(ks[3], (V, D), dtype=jnp.float32) * 0.02,
        "type_emb": jax.random.normal(ks[4], (TYPE_V, D), dtype=jnp.float32) * 0.02,
        "W1": jax.random.normal(ks[5], (D, 128), dtype=jnp.float32) * 0.02,
        "b1": jnp.zeros((D,), dtype=jnp.float32),
        "W2": jax.random.normal(ks[6], (D, D), dtype=jnp.float32) * 0.02,
        "b2": jnp.zeros((D,), dtype=jnp.float32),
        "gamma": jnp.ones((T * D,), dtype=jnp.float32),
        "beta": jnp.zeros((T * D,), dtype=jnp.float32),
    }


def reference(input_ids, token_type_ids, timesteps, word_emb, type_emb, W1, b1, W2, b2, gamma, beta):
    # time embedding MLP: Linear(128, D) -> SiLU -> Linear(D, D)
    te = timestep_embedding(timesteps, 128)
    h = te @ W1.T + b1
    h = h * jax.nn.sigmoid(h)
    time_emb = h @ W2.T + b2  # [B, D]

    inputs_embeds = jnp.take(word_emb, input_ids, axis=0)        # [B, T, L, D]
    token_type_embeds = jnp.take(type_emb, token_type_ids, axis=0)  # [B, T, L, D]
    emb = inputs_embeds + token_type_embeds + time_emb[:, None, None, :]

    # rearrange 'b t l d -> b l (t d)'
    emb = jnp.transpose(emb, (0, 2, 1, 3)).reshape(B, L, T * D)

    mu = jnp.mean(emb, axis=-1, keepdims=True)
    var = jnp.var(emb, axis=-1, keepdims=True)
    out = (emb - mu) / jnp.sqrt(var + EPS) * gamma + beta
    return out

if __name__ == "__main__":
    import jax
    _d = setup_inputs()
    print(jax.jit(kernel)(*tuple(_d.values())))

</pallas_src>

<mosaic_0001>
#map = affine_map<(d0, d1) -> (0, 0)>
#map1 = affine_map<(d0, d1) -> (0, 0, 0)>
module attributes {stable_mosaic.version = 14 : i64} {
  func.func @_sc_gather_body(%arg0: i32, %arg1: i32, %arg2: memref<100000x128xf32, #tpu.memory_space<hbm>>, %arg3: memref<4x2x4096xi32, #tpu.memory_space<hbm>>, %arg4: memref<16384x256xf32, #tpu.memory_space<hbm>>, %arg5: memref<8x128xi32, #tpu.memory_space<vmem>>, %arg6: memref<128x128xf32, #tpu.memory_space<vmem>>, %arg7: memref<128x128xf32, #tpu.memory_space<vmem>>, %arg8: memref<128x128xf32, #tpu.memory_space<vmem>>, %arg9: memref<128x128xf32, #tpu.memory_space<vmem>>, %arg10: memref<128x128xf32, #tpu.memory_space<vmem>>, %arg11: memref<128x128xf32, #tpu.memory_space<vmem>>, %arg12: memref<!tpu.dma_semaphore, #tpu.memory_space<semaphore_mem>>, %arg13: memref<!tpu.dma_semaphore, #tpu.memory_space<semaphore_mem>>, %arg14: memref<!tpu.dma_semaphore, #tpu.memory_space<semaphore_mem>>, %arg15: memref<!tpu.dma_semaphore, #tpu.memory_space<semaphore_mem>>, %arg16: memref<!tpu.dma_semaphore, #tpu.memory_space<semaphore_mem>>, %arg17: memref<!tpu.dma_semaphore, #tpu.memory_space<semaphore_mem>>, %arg18: memref<!tpu.dma_semaphore, #tpu.memory_space<semaphore_mem>>, %arg19: memref<!tpu.dma_semaphore, #tpu.memory_space<semaphore_mem>>, %arg20: memref<!tpu.dma_semaphore, #tpu.memory_space<semaphore_mem>>, %arg21: memref<!tpu.dma_semaphore, #tpu.memory_space<semaphore_mem>>, %arg22: memref<!tpu.dma_semaphore, #tpu.memory_space<semaphore_mem>>, %arg23: memref<!tpu.dma_semaphore, #tpu.memory_space<semaphore_mem>>, %arg24: memref<!tpu.dma_semaphore, #tpu.memory_space<semaphore_mem>>) attributes {dimension_semantics = [#tpu.dimension_semantics<core_parallel>, #tpu.dimension_semantics<subcore_parallel>], iteration_bounds = array<i64: 2, 16>, scalar_prefetch = 0 : i64, scratch_operands = 20 : i64, tpu.core_type = #tpu.core_type<sc_vector_subcore>, window_params = [{transform_indices = #map}, {transform_indices = #map1}, {transform_indices = #map}]} {
    %mul3A = arith.constant 2 : i32
    %mul3A_0 = arith.muli %arg1, %mul3A : i32
    %add3A = arith.addi %mul3A_0, %arg0 : i32
    %mul3A_1 = arith.constant 512 : i32
    %mul3A_2 = arith.muli %add3A, %mul3A_1 : i32
    %mul3A_3 = arith.constant 512 : i32
    %mul3A_4 = arith.muli %add3A, %mul3A_3 : i32
    %add3A_5 = arith.constant 0 : i32
    %add3A_6 = arith.addi %add3A_5, %mul3A_4 : i32
    %jit3A = arith.constant 4096 : i32
    %div3A = arith.divsi %add3A_6, %jit3A : i32
    %sign3A = arith.constant 0 : i32
    %sign3A_7 = arith.cmpi sgt, %add3A_6, %sign3A : i32
    %sign3A_8 = arith.extui %sign3A_7 : i1 to i32
    %sign3A_9 = arith.constant 0 : i32
    %sign3A_10 = arith.cmpi slt, %add3A_6, %sign3A_9 : i32
    %sign3A_11 = arith.extui %sign3A_10 : i1 to i32
    %sign3A_12 = arith.subi %sign3A_8, %sign3A_11 : i32
    %sign3A_13 = arith.constant 0 : i32
    %sign3A_14 = arith.cmpi sgt, %jit3A, %sign3A_13 : i32
    %sign3A_15 = arith.extui %sign3A_14 : i1 to i32
    %sign3A_16 = arith.constant 0 : i32
    %sign3A_17 = arith.cmpi slt, %jit3A, %sign3A_16 : i32
    %sign3A_18 = arith.extui %sign3A_17 : i1 to i32
    %sign3A_19 = arith.subi %sign3A_15, %sign3A_18 : i32
    %ne3A = arith.cmpi ne, %sign3A_12, %sign3A_19 : i32
    %rem3A = arith.remsi %add3A_6, %jit3A : i32
    %ne3A_20 = arith.constant 0 : i32
    %ne3A_21 = arith.cmpi ne, %rem3A, %ne3A_20 : i32
    %and3A = arith.andi %ne3A, %ne3A_21 : i1
    %sub3A = arith.constant 1 : i32
    %sub3A_22 = arith.subi %div3A, %sub3A : i32
    %select_n3A = arith.select %and3A, %sub3A_22, %div3A : i32
    %jit3A_23 = arith.constant 4096 : i32
    %eq3A = arith.constant 0 : i32
    %eq3A_24 = arith.cmpi eq, %jit3A_23, %eq3A : i32
    %jit3A_25 = arith.constant 1 : i32
    %select_n3A_26 = arith.select %eq3A_24, %jit3A_25, %jit3A_23 : i32
    %rem3A_27 = arith.remsi %add3A_6, %select_n3A_26 : i32
    %ne3A_28 = arith.constant 0 : i32
    %ne3A_29 = arith.cmpi ne, %rem3A_27, %ne3A_28 : i32
    %lt3A = arith.constant 0 : i32
    %lt3A_30 = arith.cmpi slt, %rem3A_27, %lt3A : i32
    %lt3A_31 = arith.constant 0 : i32
    %lt3A_32 = arith.cmpi slt, %select_n3A_26, %lt3A_31 : i32
    %ne3A_33 = arith.xori %lt3A_30, %lt3A_32 : i1
    %and3A_34 = arith.andi %ne3A_33, %ne3A_29 : i1
    %add3A_35 = arith.addi %rem3A_27, %select_n3A_26 : i32
    %select_n3A_36 = arith.select %and3A_34, %add3A_35, %rem3A_27 : i32
    %add3A_37 = arith.constant 0 : i32
    %add3A_38 = arith.addi %select_n3A_36, %add3A_37 : i32
    %dma_start3A = arith.constant 0 : i32
    %dma_start3A_39 = arith.constant 0 : i32
    %dma_start3A_40 = arith.constant 0 : i32
    %dma_start3A_41 = tpu.memref_slice %arg5[%dma_start3A_39, %dma_start3A_40] : memref<8x128xi32, #tpu.memory_space<vmem>> -> memref<1x128xi32, #tpu.memory_space<vmem>>
    %dma_start3A_42 = tpu.memref_squeeze %dma_start3A_41 : memref<1x128xi32, #tpu.memory_space<vmem>> -> memref<128xi32, #tpu.memory_space<vmem>>
    %dma_start3A_43 = tpu.memref_slice %arg3[%select_n3A, %dma_start3A, %add3A_38] : memref<4x2x4096xi32, #tpu.memory_space<hbm>> -> memref<1x1x128xi32, #tpu.memory_space<hbm>>
    %dma_start3A_44 = tpu.memref_squeeze %dma_start3A_43 : memref<1x1x128xi32, #tpu.memory_space<hbm>> -> memref<128xi32, #tpu.memory_space<hbm>>
    %dma_start3A_45 = arith.constant 0 : i32
    %dma_start3A_46 = tpu.memref_slice %arg5[%dma_start3A_39, %dma_start3A_45] : memref<8x128xi32, #tpu.memory_space<vmem>> -> memref<1x128xi32, #tpu.memory_space<vmem>>
    %dma_start3A_47 = tpu.memref_squeeze %dma_start3A_46 : memref<1x128xi32, #tpu.memory_space<vmem>> -> memref<128xi32, #tpu.memory_space<vmem>>
    %dma_start3A_48 = tpu.memref_slice %arg3[%select_n3A, %dma_start3A, %add3A_38] : memref<4x2x4096xi32, #tpu.memory_space<hbm>> -> memref<1x1x128xi32, #tpu.memory_space<hbm>>
    %dma_start3A_49 = tpu.memref_squeeze %dma_start3A_48 : memref<1x1x128xi32, #tpu.memory_space<hbm>> -> memref<128xi32, #tpu.memory_space<hbm>>
    tpu.enqueue_dma source(%dma_start3A_49 : memref<128xi32, #tpu.memory_space<hbm>>) target(%dma_start3A_47 : memref<128xi32, #tpu.memory_space<vmem>>) target_semaphore(%arg24 : memref<!tpu.dma_semaphore, #tpu.memory_space<semaphore_mem>>)
    %add3A_50 = arith.constant 128 : i32
    %add3A_51 = arith.addi %select_n3A_36, %add3A_50 : i32
    %dma_start3A_52 = arith.constant 0 : i32
    %dma_start3A_53 = arith.constant 1 : i32
    %dma_start3A_54 = arith.constant 0 : i32
    %dma_start3A_55 = tpu.memref_slice %arg5[%dma_start3A_53, %dma_start3A_54] : memref<8x128xi32, #tpu.memory_space<vmem>> -> memref<1x128xi32, #tpu.memory_space<vmem>>
    %dma_start3A_56 = tpu.memref_squeeze %dma_start3A_55 : memref<1x128xi32, #tpu.memory_space<vmem>> -> memref<128xi32, #tpu.memory_space<vmem>>
    %dma_start3A_57 = tpu.memref_slice %arg3[%select_n3A, %dma_start3A_52, %add3A_51] : memref<4x2x4096xi32, #tpu.memory_space<hbm>> -> memref<1x1x128xi32, #tpu.memory_space<hbm>>
    %dma_start3A_58 = tpu.memref_squeeze %dma_start3A_57 : memref<1x1x128xi32, #tpu.memory_space<hbm>> -> memref<128xi32, #tpu.memory_space<hbm>>
    %dma_start3A_59 = arith.constant 0 : i32
    %dma_start3A_60 = tpu.memref_slice %arg5[%dma_start3A_53, %dma_start3A_59] : memref<8x128xi32, #tpu.memory_space<vmem>> -> memref<1x128xi32, #tpu.memory_space<vmem>>
    %dma_start3A_61 = tpu.memref_squeeze %dma_start3A_60 : memref<1x128xi32, #tpu.memory_space<vmem>> -> memref<128xi32, #tpu.memory_space<vmem>>
    %dma_start3A_62 = tpu.memref_slice %arg3[%select_n3A, %dma_start3A_52, %add3A_51] : memref<4x2x4096xi32, #tpu.memory_space<hbm>> -> memref<1x1x128xi32, #tpu.memory_space<hbm>>
    %dma_start3A_63 = tpu.memref_squeeze %dma_start3A_62 : memref<1x1x128xi32, #tpu.memory_space<hbm>> -> memref<128xi32, #tpu.memory_space<hbm>>
    tpu.enqueue_dma source(%dma_start3A_63 : memref<128xi32, #tpu.memory_space<hbm>>) target(%dma_start3A_61 : memref<128xi32, #tpu.memory_space<vmem>>) target_semaphore(%arg24 : memref<!tpu.dma_semaphore, #tpu.memory_space<semaphore_mem>>)
    %add3A_64 = arith.constant 256 : i32
    %add3A_65 = arith.addi %select_n3A_36, %add3A_64 : i32
    %dma_start3A_66 = arith.constant 0 : i32
    %dma_start3A_67 = arith.constant 2 : i32
    %dma_start3A_68 = arith.constant 0 : i32
    %dma_start3A_69 = tpu.memref_slice %arg5[%dma_start3A_67, %dma_start3A_68] : memref<8x128xi32, #tpu.memory_space<vmem>> -> memref<1x128xi32, #tpu.memory_space<vmem>>
    %dma_start3A_70 = tpu.memref_squeeze %dma_start3A_69 : memref<1x128xi32, #tpu.memory_space<vmem>> -> memref<128xi32, #tpu.memory_space<vmem>>
    %dma_start3A_71 = tpu.memref_slice %arg3[%select_n3A, %dma_start3A_66, %add3A_65] : memref<4x2x4096xi32, #tpu.memory_space<hbm>> -> memref<1x1x128xi32, #tpu.memory_space<hbm>>
    %dma_start3A_72 = tpu.memref_squeeze %dma_start3A_71 : memref<1x1x128xi32, #tpu.memory_space<hbm>> -> memref<128xi32, #tpu.memory_space<hbm>>
    %dma_start3A_73 = arith.constant 0 : i32
    %dma_start3A_74 = tpu.memref_slice %arg5[%dma_start3A_67, %dma_start3A_73] : memref<8x128xi32, #tpu.memory_space<vmem>> -> memref<1x128xi32, #tpu.memory_space<vmem>>
    %dma_start3A_75 = tpu.memref_squeeze %dma_start3A_74 : memref<1x128xi32, #tpu.memory_space<vmem>> -> memref<128xi32, #tpu.memory_space<vmem>>
    %dma_start3A_76 = tpu.memref_slice %arg3[%select_n3A, %dma_start3A_66, %add3A_65] : memref<4x2x4096xi32, #tpu.memory_space<hbm>> -> memref<1x1x128xi32, #tpu.memory_space<hbm>>
    %dma_start3A_77 = tpu.memref_squeeze %dma_start3A_76 : memref<1x1x128xi32, #tpu.memory_space<hbm>> -> memref<128xi32, #tpu.memory_space<hbm>>
    tpu.enqueue_dma source(%dma_start3A_77 : memref<128xi32, #tpu.memory_space<hbm>>) target(%dma_start3A_75 : memref<128xi32, #tpu.memory_space<vmem>>) target_semaphore(%arg24 : memref<!tpu.dma_semaphore, #tpu.memory_space<semaphore_mem>>)
    %add3A_78 = arith.constant 384 : i32
    %add3A_79 = arith.addi %select_n3A_36, %add3A_78 : i32
    %dma_start3A_80 = arith.constant 0 : i32
    %dma_start3A_81 = arith.constant 3 : i32
    %dma_start3A_82 = arith.constant 0 : i32
    %dma_start3A_83 = tpu.memref_slice %arg5[%dma_start3A_81, %dma_start3A_82] : memref<8x128xi32, #tpu.memory_space<vmem>> -> memref<1x128xi32, #tpu.memory_space<vmem>>
    %dma_start3A_84 = tpu.memref_squeeze %dma_start3A_83 : memref<1x128xi32, #tpu.memory_space<vmem>> -> memref<128xi32, #tpu.memory_space<vmem>>
    %dma_start3A_85 = tpu.memref_slice %arg3[%select_n3A, %dma_start3A_80, %add3A_79] : memref<4x2x4096xi32, #tpu.memory_space<hbm>> -> memref<1x1x128xi32, #tpu.memory_space<hbm>>
    %dma_start3A_86 = tpu.memref_squeeze %dma_start3A_85 : memref<1x1x128xi32, #tpu.memory_space<hbm>> -> memref<128xi32, #tpu.memory_space<hbm>>
    %dma_start3A_87 = arith.constant 0 : i32
    %dma_start3A_88 = tpu.memref_slice %arg5[%dma_start3A_81, %dma_start3A_87] : memref<8x128xi32, #tpu.memory_space<vmem>> -> memref<1x128xi32, #tpu.memory_space<vmem>>
    %dma_start3A_89 = tpu.memref_squeeze %dma_start3A_88 : memref<1x128xi32, #tpu.memory_space<vmem>> -> memref<128xi32, #tpu.memory_space<vmem>>
    %dma_start3A_90 = tpu.memref_slice %arg3[%select_n3A, %dma_start3A_80, %add3A_79] : memref<4x2x4096xi32, #tpu.memory_space<hbm>> -> memref<1x1x128xi32, #tpu.memory_space<hbm>>
    %dma_start3A_91 = tpu.memref_squeeze %dma_start3A_90 : memref<1x1x128xi32, #tpu.memory_space<hbm>> -> memref<128xi32, #tpu.memory_space<hbm>>
    tpu.enqueue_dma source(%dma_start3A_91 : memref<128xi32, #tpu.memory_space<hbm>>) target(%dma_start3A_89 : memref<128xi32, #tpu.memory_space<vmem>>) target_semaphore(%arg24 : memref<!tpu.dma_semaphore, #tpu.memory_space<semaphore_mem>>)
    %add3A_92 = arith.constant 0 : i32
    %add3A_93 = arith.addi %select_n3A_36, %add3A_92 : i32
    %dma_start3A_94 = arith.constant 1 : i32
    %dma_start3A_95 = arith.constant 4 : i32
    %dma_start3A_96 = arith.constant 0 : i32
    %dma_start3A_97 = tpu.memref_slice %arg5[%dma_start3A_95, %dma_start3A_96] : memref<8x128xi32, #tpu.memory_space<vmem>> -> memref<1x128xi32, #tpu.memory_space<vmem>>
    %dma_start3A_98 = tpu.memref_squeeze %dma_start3A_97 : memref<1x128xi32, #tpu.memory_space<vmem>> -> memref<128xi32, #tpu.memory_space<vmem>>
    %dma_start3A_99 = tpu.memref_slice %arg3[%select_n3A, %dma_start3A_94, %add3A_93] : memref<4x2x4096xi32, #tpu.memory_space<hbm>> -> memref<1x1x128xi32, #tpu.memory_space<hbm>>
    %dma_start3A_100 = tpu.memref_squeeze %dma_start3A_99 : memref<1x1x128xi32, #tpu.memory_space<hbm>> -> memref<128xi32, #tpu.memory_space<hbm>>
    %dma_start3A_101 = arith.constant 0 : i32
    %dma_start3A_102 = tpu.memref_slice %arg5[%dma_start3A_95, %dma_start3A_101] : memref<8x128xi32, #tpu.memory_space<vmem>> -> memref<1x128xi32, #tpu.memory_space<vmem>>
    %dma_start3A_103 = tpu.memref_squeeze %dma_start3A_102 : memref<1x128xi32, #tpu.memory_space<vmem>> -> memref<128xi32, #tpu.memory_space<vmem>>
    %dma_start3A_104 = tpu.memref_slice %arg3[%select_n3A, %dma_start3A_94, %add3A_93] : memref<4x2x4096xi32, #tpu.memory_space<hbm>> -> memref<1x1x128xi32, #tpu.memory_space<hbm>>
    %dma_start3A_105 = tpu.memref_squeeze %dma_start3A_104 : memref<1x1x128xi32, #tpu.memory_space<hbm>> -> memref<128xi32, #tpu.memory_space<hbm>>
    tpu.enqueue_dma source(%dma_start3A_105 : memref<128xi32, #tpu.memory_space<hbm>>) target(%dma_start3A_103 : memref<128xi32, #tpu.memory_space<vmem>>) target_semaphore(%arg24 : memref<!tpu.dma_semaphore, #tpu.memory_space<semaphore_mem>>)
    %add3A_106 = arith.constant 128 : i32
    %add3A_107 = arith.addi %select_n3A_36, %add3A_106 : i32
    %dma_start3A_108 = arith.constant 1 : i32
    %dma_start3A_109 = arith.constant 5 : i32
    %dma_start3A_110 = arith.constant 0 : i32
    %dma_start3A_111 = tpu.memref_slice %arg5[%dma_start3A_109, %dma_start3A_110] : memref<8x128xi32, #tpu.memory_space<vmem>> -> memref<1x128xi32, #tpu.memory_space<vmem>>
    %dma_start3A_112 = tpu.memref_squeeze %dma_start3A_111 : memref<1x128xi32, #tpu.memory_space<vmem>> -> memref<128xi32, #tpu.memory_space<vmem>>
    %dma_start3A_113 = tpu.memref_slice %arg3[%select_n3A, %dma_start3A_108, %add3A_107] : memref<4x2x4096xi32, #tpu.memory_space<hbm>> -> memref<1x1x128xi32, #tpu.memory_space<hbm>>
    %dma_start3A_114 = tpu.memref_squeeze %dma_start3A_113 : memref<1x1x128xi32, #tpu.memory_space<hbm>> -> memref<128xi32, #tpu.memory_space<hbm>>
    %dma_start3A_115 = arith.constant 0 : i32
    %dma_start3A_116 = tpu.memref_slice %arg5[%dma_start3A_109, %dma_start3A_115] : memref<8x128xi32, #tpu.memory_space<vmem>> -> memref<1x128xi32, #tpu.memory_space<vmem>>
    %dma_start3A_117 = tpu.memref_squeeze %dma_start3A_116 : memref<1x128xi32, #tpu.memory_space<vmem>> -> memref<128xi32, #tpu.memory_space<vmem>>
    %dma_start3A_118 = tpu.memref_slice %arg3[%select_n3A, %dma_start3A_108, %add3A_107] : memref<4x2x4096xi32, #tpu.memory_space<hbm>> -> memref<1x1x128xi32, #tpu.memory_space<hbm>>
    %dma_start3A_119 = tpu.memref_squeeze %dma_start3A_118 : memref<1x1x128xi32, #tpu.memory_space<hbm>> -> memref<128xi32, #tpu.memory_space<hbm>>
    tpu.enqueue_dma source(%dma_start3A_119 : memref<128xi32, #tpu.memory_space<hbm>>) target(%dma_start3A_117 : memref<128xi32, #tpu.memory_space<vmem>>) target_semaphore(%arg24 : memref<!tpu.dma_semaphore, #tpu.memory_space<semaphore_mem>>)
    %add3A_120 = arith.constant 256 : i32
    %add3A_121 = arith.addi %select_n3A_36, %add3A_120 : i32
    %dma_start3A_122 = arith.constant 1 : i32
    %dma_start3A_123 = arith.constant 6 : i32
    %dma_start3A_124 = arith.constant 0 : i32
    %dma_start3A_125 = tpu.memref_slice %arg5[%dma_start3A_123, %dma_start3A_124] : memref<8x128xi32, #tpu.memory_space<vmem>> -> memref<1x128xi32, #tpu.memory_space<vmem>>
    %dma_start3A_126 = tpu.memref_squeeze %dma_start3A_125 : memref<1x128xi32, #tpu.memory_space<vmem>> -> memref<128xi32, #tpu.memory_space<vmem>>
    %dma_start3A_127 = tpu.memref_slice %arg3[%select_n3A, %dma_start3A_122, %add3A_121] : memref<4x2x4096xi32, #tpu.memory_space<hbm>> -> memref<1x1x128xi32, #tpu.memory_space<hbm>>
    %dma_start3A_128 = tpu.memref_squeeze %dma_start3A_127 : memref<1x1x128xi32, #tpu.memory_space<hbm>> -> memref<128xi32, #tpu.memory_space<hbm>>
    %dma_start3A_129 = arith.constant 0 : i32
    %dma_start3A_130 = tpu.memref_slice %arg5[%dma_start3A_123, %dma_start3A_129] : memref<8x128xi32, #tpu.memory_space<vmem>> -> memref<1x128xi32, #tpu.memory_space<vmem>>
    %dma_start3A_131 = tpu.memref_squeeze %dma_start3A_130 : memref<1x128xi32, #tpu.memory_space<vmem>> -> memref<128xi32, #tpu.memory_space<vmem>>
    %dma_start3A_132 = tpu.memref_slice %arg3[%select_n3A, %dma_start3A_122, %add3A_121] : memref<4x2x4096xi32, #tpu.memory_space<hbm>> -> memref<1x1x128xi32, #tpu.memory_space<hbm>>
    %dma_start3A_133 = tpu.memref_squeeze %dma_start3A_132 : memref<1x1x128xi32, #tpu.memory_space<hbm>> -> memref<128xi32, #tpu.memory_space<hbm>>
    tpu.enqueue_dma source(%dma_start3A_133 : memref<128xi32, #tpu.memory_space<hbm>>) target(%dma_start3A_131 : memref<128xi32, #tpu.memory_space<vmem>>) target_semaphore(%arg24 : memref<!tpu.dma_semaphore, #tpu.memory_space<semaphore_mem>>)
    %add3A_134 = arith.constant 384 : i32
    %add3A_135 = arith.addi %select_n3A_36, %add3A_134 : i32
    %dma_start3A_136 = arith.constant 1 : i32
    %dma_start3A_137 = arith.constant 7 : i32
    %dma_start3A_138 = arith.constant 0 : i32
    %dma_start3A_139 = tpu.memref_slice %arg5[%dma_start3A_137, %dma_start3A_138] : memref<8x128xi32, #tpu.memory_space<vmem>> -> memref<1x128xi32, #tpu.memory_space<vmem>>
    %dma_start3A_140 = tpu.memref_squeeze %dma_start3A_139 : memref<1x128xi32, #tpu.memory_space<vmem>> -> memref<128xi32, #tpu.memory_space<vmem>>
    %dma_start3A_141 = tpu.memref_slice %arg3[%select_n3A, %dma_start3A_136, %add3A_135] : memref<4x2x4096xi32, #tpu.memory_space<hbm>> -> memref<1x1x128xi32, #tpu.memory_space<hbm>>
    %dma_start3A_142 = tpu.memref_squeeze %dma_start3A_141 : memref<1x1x128xi32, #tpu.memory_space<hbm>> -> memref<128xi32, #tpu.memory_space<hbm>>
    %dma_start3A_143 = arith.constant 0 : i32
    %dma_start3A_144 = tpu.memref_slice %arg5[%dma_start3A_137, %dma_start3A_143] : memref<8x128xi32, #tpu.memory_space<vmem>> -> memref<1x128xi32, #tpu.memory_space<vmem>>
    %dma_start3A_145 = tpu.memref_squeeze %dma_start3A_144 : memref<1x128xi32, #tpu.memory_space<vmem>> -> memref<128xi32, #tpu.memory_space<vmem>>
    %dma_start3A_146 = tpu.memref_slice %arg3[%select_n3A, %dma_start3A_136, %add3A_135] : memref<4x2x4096xi32, #tpu.memory_space<hbm>> -> memref<1x1x128xi32, #tpu.memory_space<hbm>>
    %dma_start3A_147 = tpu.memref_squeeze %dma_start3A_146 : memref<1x1x128xi32, #tpu.memory_space<hbm>> -> memref<128xi32, #tpu.memory_space<hbm>>
    tpu.enqueue_dma source(%dma_start3A_147 : memref<128xi32, #tpu.memory_space<hbm>>) target(%dma_start3A_145 : memref<128xi32, #tpu.memory_space<vmem>>) target_semaphore(%arg24 : memref<!tpu.dma_semaphore, #tpu.memory_space<semaphore_mem>>)
    %dma_wait3A = arith.constant 0 : i32
    %dma_wait3A_148 = arith.constant 0 : i32
    %dma_wait3A_149 = arith.constant 0 : i32
    %dma_wait3A_150 = tpu.memref_slice %arg5[%dma_wait3A_148, %dma_wait3A_149] : memref<8x128xi32, #tpu.memory_space<vmem>> -> memref<1x128xi32, #tpu.memory_space<vmem>>
    %dma_wait3A_151 = tpu.memref_squeeze %dma_wait3A_150 : memref<1x128xi32, #tpu.memory_space<vmem>> -> memref<128xi32, #tpu.memory_space<vmem>>
    %dma_wait3A_152 = tpu.memref_slice %arg3[%select_n3A, %dma_wait3A, %add3A_38] : memref<4x2x4096xi32, #tpu.memory_space<hbm>> -> memref<1x1x128xi32, #tpu.memory_space<hbm>>
    %dma_wait3A_153 = tpu.memref_squeeze %dma_wait3A_152 : memref<1x1x128xi32, #tpu.memory_space<hbm>> -> memref<128xi32, #tpu.memory_space<hbm>>
    %dma_wait3A_154 = arith.constant 0 : i32
    %dma_wait3A_155 = tpu.memref_slice %arg5[%dma_wait3A_148, %dma_wait3A_154] : memref<8x128xi32, #tpu.memory_space<vmem>> -> memref<1x128xi32, #tpu.memory_space<vmem>>
    %dma_wait3A_156 = tpu.memref_squeeze %dma_wait3A_155 : memref<1x128xi32, #tpu.memory_space<vmem>> -> memref<128xi32, #tpu.memory_space<vmem>>
    %dma_wait3A_157 = tpu.memref_slice %arg3[%select_n3A, %dma_wait3A, %add3A_38] : memref<4x2x4096xi32, #tpu.memory_space<hbm>> -> memref<1x1x128xi32, #tpu.memory_space<hbm>>
    %dma_wait3A_158 = tpu.memref_squeeze %dma_wait3A_157 : memref<1x1x128xi32, #tpu.memory_space<hbm>> -> memref<128xi32, #tpu.memory_space<hbm>>
    tpu.wait_dma2 semaphore(%arg24 : memref<!tpu.dma_semaphore, #tpu.memory_space<semaphore_mem>>) src(%dma_wait3A_158 : memref<128xi32, #tpu.memory_space<hbm>>) dst(%dma_wait3A_156 : memref<128xi32, #tpu.memory_space<vmem>>)
    %dma_wait3A_159 = arith.constant 0 : i32
    %dma_wait3A_160 = arith.constant 1 : i32
    %dma_wait3A_161 = arith.constant 0 : i32
    %dma_wait3A_162 = tpu.memref_slice %arg5[%dma_wait3A_160, %dma_wait3A_161] : memref<8x128xi32, #tpu.memory_space<vmem>> -> memref<1x128xi32, #tpu.memory_space<vmem>>
    %dma_wait3A_163 = tpu.memref_squeeze %dma_wait3A_162 : memref<1x128xi32, #tpu.memory_space<vmem>> -> memref<128xi32, #tpu.memory_space<vmem>>
    %dma_wait3A_164 = tpu.memref_slice %arg3[%select_n3A, %dma_wait3A_159, %add3A_51] : memref<4x2x4096xi32, #tpu.memory_space<hbm>> -> memref<1x1x128xi32, #tpu.memory_space<hbm>>
    %dma_wait3A_165 = tpu.memref_squeeze %dma_wait3A_164 : memref<1x1x128xi32, #tpu.memory_space<hbm>> -> memref<128xi32, #tpu.memory_space<hbm>>
    %dma_wait3A_166 = arith.constant 0 : i32
    %dma_wait3A_167 = tpu.memref_slice %arg5[%dma_wait3A_160, %dma_wait3A_166] : memref<8x128xi32, #tpu.memory_space<vmem>> -> memref<1x128xi32, #tpu.memory_space<vmem>>
    %dma_wait3A_168 = tpu.memref_squeeze %dma_wait3A_167 : memref<1x128xi32, #tpu.memory_space<vmem>> -> memref<128xi32, #tpu.memory_space<vmem>>
    %dma_wait3A_169 = tpu.memref_slice %arg3[%select_n3A, %dma_wait3A_159, %add3A_51] : memref<4x2x4096xi32, #tpu.memory_space<hbm>> -> memref<1x1x128xi32, #tpu.memory_space<hbm>>
    %dma_wait3A_170 = tpu.memref_squeeze %dma_wait3A_169 : memref<1x1x128xi32, #tpu.memory_space<hbm>> -> memref<128xi32, #tpu.memory_space<hbm>>
    tpu.wait_dma2 semaphore(%arg24 : memref<!tpu.dma_semaphore, #tpu.memory_space<semaphore_mem>>) src(%dma_wait3A_170 : memref<128xi32, #tpu.memory_space<hbm>>) dst(%dma_wait3A_168 : memref<128xi32, #tpu.memory_space<vmem>>)
    %dma_wait3A_171 = arith.constant 0 : i32
    %dma_wait3A_172 = arith.constant 2 : i32
    %dma_wait3A_173 = arith.constant 0 : i32
    %dma_wait3A_174 = tpu.memref_slice %arg5[%dma_wait3A_172, %dma_wait3A_173] : memref<8x128xi32, #tpu.memory_space<vmem>> -> memref<1x128xi32, #tpu.memory_space<vmem>>
    %dma_wait3A_175 = tpu.memref_squeeze %dma_wait3A_174 : memref<1x128xi32, #tpu.memory_space<vmem>> -> memref<128xi32, #tpu.memory_space<vmem>>
    %dma_wait3A_176 = tpu.memref_slice %arg3[%select_n3A, %dma_wait3A_171, %add3A_65] : memref<4x2x4096xi32, #tpu.memory_space<hbm>> -> memref<1x1x128xi32, #tpu.memory_space<hbm>>
    %dma_wait3A_177 = tpu.memref_squeeze %dma_wait3A_176 : memref<1x1x128xi32, #tpu.memory_space<hbm>> -> memref<128xi32, #tpu.memory_space<hbm>>
    %dma_wait3A_178 = arith.constant 0 : i32
    %dma_wait3A_179 = tpu.memref_slice %arg5[%dma_wait3A_172, %dma_wait3A_178] : memref<8x128xi32, #tpu.memory_space<vmem>> -> memref<1x128xi32, #tpu.memory_space<vmem>>
    %dma_wait3A_180 = tpu.memref_squeeze %dma_wait3A_179 : memref<1x128xi32, #tpu.memory_space<vmem>> -> memref<128xi32, #tpu.memory_space<vmem>>
    %dma_wait3A_181 = tpu.memref_slice %arg3[%select_n3A, %dma_wait3A_171, %add3A_65] : memref<4x2x4096xi32, #tpu.memory_space<hbm>> -> memref<1x1x128xi32, #tpu.memory_space<hbm>>
    %dma_wait3A_182 = tpu.memref_squeeze %dma_wait3A_181 : memref<1x1x128xi32, #tpu.memory_space<hbm>> -> memref<128xi32, #tpu.memory_space<hbm>>
    tpu.wait_dma2 semaphore(%arg24 : memref<!tpu.dma_semaphore, #tpu.memory_space<semaphore_mem>>) src(%dma_wait3A_182 : memref<128xi32, #tpu.memory_space<hbm>>) dst(%dma_wait3A_180 : memref<128xi32, #tpu.memory_space<vmem>>)
    %dma_wait3A_183 = arith.constant 0 : i32
    %dma_wait3A_184 = arith.constant 3 : i32
    %dma_wait3A_185 = arith.constant 0 : i32
    %dma_wait3A_186 = tpu.memref_slice %arg5[%dma_wait3A_184, %dma_wait3A_185] : memref<8x128xi32, #tpu.memory_space<vmem>> -> memref<1x128xi32, #tpu.memory_space<vmem>>
    %dma_wait3A_187 = tpu.memref_squeeze %dma_wait3A_186 : memref<1x128xi32, #tpu.memory_space<vmem>> -> memref<128xi32, #tpu.memory_space<vmem>>
    %dma_wait3A_188 = tpu.memref_slice %arg3[%select_n3A, %dma_wait3A_183, %add3A_79] : memref<4x2x4096xi32, #tpu.memory_space<hbm>> -> memref<1x1x128xi32, #tpu.memory_space<hbm>>
    %dma_wait3A_189 = tpu.memref_squeeze %dma_wait3A_188 : memref<1x1x128xi32, #tpu.memory_space<hbm>> -> memref<128xi32, #tpu.memory_space<hbm>>
    %dma_wait3A_190 = arith.constant 0 : i32
    %dma_wait3A_191 = tpu.memref_slice %arg5[%dma_wait3A_184, %dma_wait3A_190] : memref<8x128xi32, #tpu.memory_space<vmem>> -> memref<1x128xi32, #tpu.memory_space<vmem>>
    %dma_wait3A_192 = tpu.memref_squeeze %dma_wait3A_191 : memref<1x128xi32, #tpu.memory_space<vmem>> -> memref<128xi32, #tpu.memory_space<vmem>>
    %dma_wait3A_193 = tpu.memref_slice %arg3[%select_n3A, %dma_wait3A_183, %add3A_79] : memref<4x2x4096xi32, #tpu.memory_space<hbm>> -> memref<1x1x128xi32, #tpu.memory_space<hbm>>
    %dma_wait3A_194 = tpu.memref_squeeze %dma_wait3A_193 : memref<1x1x128xi32, #tpu.memory_space<hbm>> -> memref<128xi32, #tpu.memory_space<hbm>>
    tpu.wait_dma2 semaphore(%arg24 : memref<!tpu.dma_semaphore, #tpu.memory_space<semaphore_mem>>) src(%dma_wait3A_194 : memref<128xi32, #tpu.memory_space<hbm>>) dst(%dma_wait3A_192 : memref<128xi32, #tpu.memory_space<vmem>>)
    %dma_wait3A_195 = arith.constant 1 : i32
    %dma_wait3A_196 = arith.constant 4 : i32
    %dma_wait3A_197 = arith.constant 0 : i32
    %dma_wait3A_198 = tpu.memref_slice %arg5[%dma_wait3A_196, %dma_wait3A_197] : memref<8x128xi32, #tpu.memory_space<vmem>> -> memref<1x128xi32, #tpu.memory_space<vmem>>
    %dma_wait3A_199 = tpu.memref_squeeze %dma_wait3A_198 : memref<1x128xi32, #tpu.memory_space<vmem>> -> memref<128xi32, #tpu.memory_space<vmem>>
    %dma_wait3A_200 = tpu.memref_slice %arg3[%select_n3A, %dma_wait3A_195, %add3A_93] : memref<4x2x4096xi32, #tpu.memory_space<hbm>> -> memref<1x1x128xi32, #tpu.memory_space<hbm>>
    %dma_wait3A_201 = tpu.memref_squeeze %dma_wait3A_200 : memref<1x1x128xi32, #tpu.memory_space<hbm>> -> memref<128xi32, #tpu.memory_space<hbm>>
    %dma_wait3A_202 = arith.constant 0 : i32
    %dma_wait3A_203 = tpu.memref_slice %arg5[%dma_wait3A_196, %dma_wait3A_202] : memref<8x128xi32, #tpu.memory_space<vmem>> -> memref<1x128xi32, #tpu.memory_space<vmem>>
    %dma_wait3A_204 = tpu.memref_squeeze %dma_wait3A_203 : memref<1x128xi32, #tpu.memory_space<vmem>> -> memref<128xi32, #tpu.memory_space<vmem>>
    %dma_wait3A_205 = tpu.memref_slice %arg3[%select_n3A, %dma_wait3A_195, %add3A_93] : memref<4x2x4096xi32, #tpu.memory_space<hbm>> -> memref<1x1x128xi32, #tpu.memory_space<hbm>>
    %dma_wait3A_206 = tpu.memref_squeeze %dma_wait3A_205 : memref<1x1x128xi32, #tpu.memory_space<hbm>> -> memref<128xi32, #tpu.memory_space<hbm>>
    tpu.wait_dma2 semaphore(%arg24 : memref<!tpu.dma_semaphore, #tpu.memory_space<semaphore_mem>>) src(%dma_wait3A_206 : memref<128xi32, #tpu.memory_space<hbm>>) dst(%dma_wait3A_204 : memref<128xi32, #tpu.memory_space<vmem>>)
    %dma_wait3A_207 = arith.constant 1 : i32
    %dma_wait3A_208 = arith.constant 5 : i32
    %dma_wait3A_209 = arith.constant 0 : i32
    %dma_wait3A_210 = tpu.memref_slice %arg5[%dma_wait3A_208, %dma_wait3A_209] : memref<8x128xi32, #tpu.memory_space<vmem>> -> memref<1x128xi32, #tpu.memory_space<vmem>>
    %dma_wait3A_211 = tpu.memref_squeeze %dma_wait3A_210 : memref<1x128xi32, #tpu.memory_space<vmem>> -> memref<128xi32, #tpu.memory_space<vmem>>
    %dma_wait3A_212 = tpu.memref_slice %arg3[%select_n3A, %dma_wait3A_207, %add3A_107] : memref<4x2x4096xi32, #tpu.memory_space<hbm>> -> memref<1x1x128xi32, #tpu.memory_space<hbm>>
    %dma_wait3A_213 = tpu.memref_squeeze %dma_wait3A_212 : memref<1x1x128xi32, #tpu.memory_space<hbm>> -> memref<128xi32, #tpu.memory_space<hbm>>
    %dma_wait3A_214 = arith.constant 0 : i32
    %dma_wait3A_215 = tpu.memref_slice %arg5[%dma_wait3A_208, %dma_wait3A_214] : memref<8x128xi32, #tpu.memory_space<vmem>> -> memref<1x128xi32, #tpu.memory_space<vmem>>
    %dma_wait3A_216 = tpu.memref_squeeze %dma_wait3A_215 : memref<1x128xi32, #tpu.memory_space<vmem>> -> memref<128xi32, #tpu.memory_space<vmem>>
    %dma_wait3A_217 = tpu.memref_slice %arg3[%select_n3A, %dma_wait3A_207, %add3A_107] : memref<4x2x4096xi32, #tpu.memory_space<hbm>> -> memref<1x1x128xi32, #tpu.memory_space<hbm>>
    %dma_wait3A_218 = tpu.memref_squeeze %dma_wait3A_217 : memref<1x1x128xi32, #tpu.memory_space<hbm>> -> memref<128xi32, #tpu.memory_space<hbm>>
    tpu.wait_dma2 semaphore(%arg24 : memref<!tpu.dma_semaphore, #tpu.memory_space<semaphore_mem>>) src(%dma_wait3A_218 : memref<128xi32, #tpu.memory_space<hbm>>) dst(%dma_wait3A_216 : memref<128xi32, #tpu.memory_space<vmem>>)
    %dma_wait3A_219 = arith.constant 1 : i32
    %dma_wait3A_220 = arith.constant 6 : i32
    %dma_wait3A_221 = arith.constant 0 : i32
    %dma_wait3A_222 = tpu.memref_slice %arg5[%dma_wait3A_220, %dma_wait3A_221] : memref<8x128xi32, #tpu.memory_space<vmem>> -> memref<1x128xi32, #tpu.memory_space<vmem>>
    %dma_wait3A_223 = tpu.memref_squeeze %dma_wait3A_222 : memref<1x128xi32, #tpu.memory_space<vmem>> -> memref<128xi32, #tpu.memory_space<vmem>>
    %dma_wait3A_224 = tpu.memref_slice %arg3[%select_n3A, %dma_wait3A_219, %add3A_121] : memref<4x2x4096xi32, #tpu.memory_space<hbm>> -> memref<1x1x128xi32, #tpu.memory_space<hbm>>
    %dma_wait3A_225 = tpu.memref_squeeze %dma_wait3A_224 : memref<1x1x128xi32, #tpu.memory_space<hbm>> -> memref<128xi32, #tpu.memory_space<hbm>>
    %dma_wait3A_226 = arith.constant 0 : i32
    %dma_wait3A_227 = tpu.memref_slice %arg5[%dma_wait3A_220, %dma_wait3A_226] : memref<8x128xi32, #tpu.memory_space<vmem>> -> memref<1x128xi32, #tpu.memory_space<vmem>>
    %dma_wait3A_228 = tpu.memref_squeeze %dma_wait3A_227 : memref<1x128xi32, #tpu.memory_space<vmem>> -> memref<128xi32, #tpu.memory_space<vmem>>
    %dma_wait3A_229 = tpu.memref_slice %arg3[%select_n3A, %dma_wait3A_219, %add3A_121] : memref<4x2x4096xi32, #tpu.memory_space<hbm>> -> memref<1x1x128xi32, #tpu.memory_space<hbm>>
    %dma_wait3A_230 = tpu.memref_squeeze %dma_wait3A_229 : memref<1x1x128xi32, #tpu.memory_space<hbm>> -> memref<128xi32, #tpu.memory_space<hbm>>
    tpu.wait_dma2 semaphore(%arg24 : memref<!tpu.dma_semaphore, #tpu.memory_space<semaphore_mem>>) src(%dma_wait3A_230 : memref<128xi32, #tpu.memory_space<hbm>>) dst(%dma_wait3A_228 : memref<128xi32, #tpu.memory_space<vmem>>)
    %dma_wait3A_231 = arith.constant 1 : i32
    %dma_wait3A_232 = arith.constant 7 : i32
    %dma_wait3A_233 = arith.constant 0 : i32
    %dma_wait3A_234 = tpu.memref_slice %arg5[%dma_wait3A_232, %dma_wait3A_233] : memref<8x128xi32, #tpu.memory_space<vmem>> -> memref<1x128xi32, #tpu.memory_space<vmem>>
    %dma_wait3A_235 = tpu.memref_squeeze %dma_wait3A_234 : memref<1x128xi32, #tpu.memory_space<vmem>> -> memref<128xi32, #tpu.memory_space<vmem>>
    %dma_wait3A_236 = tpu.memref_slice %arg3[%select_n3A, %dma_wait3A_231, %add3A_135] : memref<4x2x4096xi32, #tpu.memory_space<hbm>> -> memref<1x1x128xi32, #tpu.memory_space<hbm>>
    %dma_wait3A_237 = tpu.memref_squeeze %dma_wait3A_236 : memref<1x1x128xi32, #tpu.memory_space<hbm>> -> memref<128xi32, #tpu.memory_space<hbm>>
    %dma_wait3A_238 = arith.constant 0 : i32
    %dma_wait3A_239 = tpu.memref_slice %arg5[%dma_wait3A_232, %dma_wait3A_238] : memref<8x128xi32, #tpu.memory_space<vmem>> -> memref<1x128xi32, #tpu.memory_space<vmem>>
    %dma_wait3A_240 = tpu.memref_squeeze %dma_wait3A_239 : memref<1x128xi32, #tpu.memory_space<vmem>> -> memref<128xi32, #tpu.memory_space<vmem>>
    %dma_wait3A_241 = tpu.memref_slice %arg3[%select_n3A, %dma_wait3A_231, %add3A_135] : memref<4x2x4096xi32, #tpu.memory_space<hbm>> -> memref<1x1x128xi32, #tpu.memory_space<hbm>>
    %dma_wait3A_242 = tpu.memref_squeeze %dma_wait3A_241 : memref<1x1x128xi32, #tpu.memory_space<hbm>> -> memref<128xi32, #tpu.memory_space<hbm>>
    tpu.wait_dma2 semaphore(%arg24 : memref<!tpu.dma_semaphore, #tpu.memory_space<semaphore_mem>>) src(%dma_wait3A_242 : memref<128xi32, #tpu.memory_space<hbm>>) dst(%dma_wait3A_240 : memref<128xi32, #tpu.memory_space<vmem>>)
    %dma_start3A_243 = arith.constant 0 : i32
    %dma_start3A_244 = arith.constant 0 : i32
    %dma_start3A_245 = tpu.memref_slice %arg5[%dma_start3A_243, %dma_start3A_244] : memref<8x128xi32, #tpu.memory_space<vmem>> -> memref<1x128xi32, #tpu.memory_space<vmem>>
    %dma_start3A_246 = tpu.memref_squeeze %dma_start3A_245 : memref<1x128xi32, #tpu.memory_space<vmem>> -> memref<128xi32, #tpu.memory_space<vmem>>
    %dma_start3A_247 = arith.constant 0 : i32
    %dma_start3A_248 = arith.constant 0 : i32
    %dma_start3A_249 = tpu.memref_slice %arg2[%dma_start3A_247, %dma_start3A_248] : memref<100000x128xf32, #tpu.memory_space<hbm>> -> memref<100000x128xf32, #tpu.memory_space<hbm>>
    tpu.enqueue_indirect_dma source(%dma_start3A_249 : memref<100000x128xf32, #tpu.memory_space<hbm>>) target(%arg6 : memref<128x128xf32, #tpu.memory_space<vmem>>) offsets(%dma_start3A_246 : memref<128xi32, #tpu.memory_space<vmem>>) semaphore(%arg12 : memref<!tpu.dma_semaphore, #tpu.memory_space<semaphore_mem>>)
    %dma_start3A_250 = arith.constant 1 : i32
    %dma_start3A_251 = arith.constant 0 : i32
    %dma_start3A_252 = tpu.memref_slice %arg5[%dma_start3A_250, %dma_start3A_251] : memref<8x128xi32, #tpu.memory_space<vmem>> -> memref<1x128xi32, #tpu.memory_space<vmem>>
    %dma_start3A_253 = tpu.memref_squeeze %dma_start3A_252 : memref<1x128xi32, #tpu.memory_space<vmem>> -> memref<128xi32, #tpu.memory_space<vmem>>
    %dma_start3A_254 = arith.constant 0 : i32
    %dma_start3A_255 = arith.constant 0 : i32
    %dma_start3A_256 = tpu.memref_slice %arg2[%dma_start3A_254, %dma_start3A_255] : memref<100000x128xf32, #tpu.memory_space<hbm>> -> memref<100000x128xf32, #tpu.memory_space<hbm>>
    tpu.enqueue_indirect_dma source(%dma_start3A_256 : memref<100000x128xf32, #tpu.memory_space<hbm>>) target(%arg7 : memref<128x128xf32, #tpu.memory_space<vmem>>) offsets(%dma_start3A_253 : memref<128xi32, #tpu.memory_space<vmem>>) semaphore(%arg13 : memref<!tpu.dma_semaphore, #tpu.memory_space<semaphore_mem>>)
    %dma_start3A_257 = arith.constant 2 : i32
    %dma_start3A_258 = arith.constant 0 : i32
    %dma_start3A_259 = tpu.memref_slice %arg5[%dma_start3A_257, %dma_start3A_258] : memref<8x128xi32, #tpu.memory_space<vmem>> -> memref<1x128xi32, #tpu.memory_space<vmem>>
    %dma_start3A_260 = tpu.memref_squeeze %dma_start3A_259 : memref<1x128xi32, #tpu.memory_space<vmem>> -> memref<128xi32, #tpu.memory_space<vmem>>
    %dma_start3A_261 = arith.constant 0 : i32
    %dma_start3A_262 = arith.constant 0 : i32
    %dma_start3A_263 = tpu.memref_slice %arg2[%dma_start3A_261, %dma_start3A_262] : memref<100000x128xf32, #tpu.memory_space<hbm>> -> memref<100000x128xf32, #tpu.memory_space<hbm>>
    tpu.enqueue_indirect_dma source(%dma_start3A_263 : memref<100000x128xf32, #tpu.memory_space<hbm>>) target(%arg8 : memref<128x128xf32, #tpu.memory_space<vmem>>) offsets(%dma_start3A_260 : memref<128xi32, #tpu.memory_space<vmem>>) semaphore(%arg14 : memref<!tpu.dma_semaphore, #tpu.memory_space<semaphore_mem>>)
    %dma_start3A_264 = arith.constant 3 : i32
    %dma_start3A_265 = arith.constant 0 : i32
    %dma_start3A_266 = tpu.memref_slice %arg5[%dma_start3A_264, %dma_start3A_265] : memref<8x128xi32, #tpu.memory_space<vmem>> -> memref<1x128xi32, #tpu.memory_space<vmem>>
    %dma_start3A_267 = tpu.memref_squeeze %dma_start3A_266 : memref<1x128xi32, #tpu.memory_space<vmem>> -> memref<128xi32, #tpu.memory_space<vmem>>
    %dma_start3A_268 = arith.constant 0 : i32
    %dma_start3A_269 = arith.constant 0 : i32
    %dma_start3A_270 = tpu.memref_slice %arg2[%dma_start3A_268, %dma_start3A_269] : memref<100000x128xf32, #tpu.memory_space<hbm>> -> memref<100000x128xf32, #tpu.memory_space<hbm>>
    tpu.enqueue_indirect_dma source(%dma_start3A_270 : memref<100000x128xf32, #tpu.memory_space<hbm>>) target(%arg9 : memref<128x128xf32, #tpu.memory_space<vmem>>) offsets(%dma_start3A_267 : memref<128xi32, #tpu.memory_space<vmem>>) semaphore(%arg15 : memref<!tpu.dma_semaphore, #tpu.memory_space<semaphore_mem>>)
    %dma_wait3A_271 = arith.constant 0 : i32
    %dma_wait3A_272 = arith.constant 0 : i32
    %dma_wait3A_273 = tpu.memref_slice %arg5[%dma_wait3A_271, %dma_wait3A_272] : memref<8x128xi32, #tpu.memory_space<vmem>> -> memref<1x128xi32, #tpu.memory_space<vmem>>
    %dma_wait3A_274 = tpu.memref_squeeze %dma_wait3A_273 : memref<1x128xi32, #tpu.memory_space<vmem>> -> memref<128xi32, #tpu.memory_space<vmem>>
    %dma_wait3A_275 = arith.constant 0 : i32
    %dma_wait3A_276 = arith.constant 0 : i32
    %dma_wait3A_277 = tpu.memref_slice %arg2[%dma_wait3A_275, %dma_wait3A_276] : memref<100000x128xf32, #tpu.memory_space<hbm>> -> memref<100000x128xf32, #tpu.memory_space<hbm>>
    tpu.wait_indirect_dma semaphore(%arg12 : memref<!tpu.dma_semaphore, #tpu.memory_space<semaphore_mem>>) src(%dma_wait3A_277 : memref<100000x128xf32, #tpu.memory_space<hbm>>) dst(%arg6 : memref<128x128xf32, #tpu.memory_space<vmem>>)
    %add3A_278 = arith.constant 0 : i32
    %add3A_279 = arith.addi %mul3A_2, %add3A_278 : i32
    %dma_start3A_280 = arith.constant 0 : i32
    %dma_start3A_281 = tpu.memref_slice %arg4[%add3A_279, %dma_start3A_280] : memref<16384x256xf32, #tpu.memory_space<hbm>> -> memref<128x128xf32, #tpu.memory_space<hbm>>
    %dma_start3A_282 = arith.constant 0 : i32
    %dma_start3A_283 = tpu.memref_slice %arg4[%add3A_279, %dma_start3A_282] : memref<16384x256xf32, #tpu.memory_space<hbm>> -> memref<128x128xf32, #tpu.memory_space<hbm>>
    tpu.enqueue_dma source(%arg6 : memref<128x128xf32, #tpu.memory_space<vmem>>) target(%dma_start3A_283 : memref<128x128xf32, #tpu.memory_space<hbm>>) target_semaphore(%arg18 : memref<!tpu.dma_semaphore, #tpu.memory_space<semaphore_mem>>)
    %dma_start3A_284 = arith.constant 4 : i32
    %dma_start3A_285 = arith.constant 0 : i32
    %dma_start3A_286 = tpu.memref_slice %arg5[%dma_start3A_284, %dma_start3A_285] : memref<8x128xi32, #tpu.memory_space<vmem>> -> memref<1x128xi32, #tpu.memory_space<vmem>>
    %dma_start3A_287 = tpu.memref_squeeze %dma_start3A_286 : memref<1x128xi32, #tpu.memory_space<vmem>> -> memref<128xi32, #tpu.memory_space<vmem>>
    %dma_start3A_288 = arith.constant 0 : i32
    %dma_start3A_289 = arith.constant 0 : i32
    %dma_start3A_290 = tpu.memref_slice %arg2[%dma_start3A_288, %dma_start3A_289] : memref<100000x128xf32, #tpu.memory_space<hbm>> -> memref<100000x128xf32, #tpu.memory_space<hbm>>
    tpu.enqueue_indirect_dma source(%dma_start3A_290 : memref<100000x128xf32, #tpu.memory_space<hbm>>) target(%arg10 : memref<128x128xf32, #tpu.memory_space<vmem>>) offsets(%dma_start3A_287 : memref<128xi32, #tpu.memory_space<vmem>>) semaphore(%arg16 : memref<!tpu.dma_semaphore, #tpu.memory_space<semaphore_mem>>)
    %dma_wait3A_291 = arith.constant 1 : i32
    %dma_wait3A_292 = arith.constant 0 : i32
    %dma_wait3A_293 = tpu.memref_slice %arg5[%dma_wait3A_291, %dma_wait3A_292] : memref<8x128xi32, #tpu.memory_space<vmem>> -> memref<1x128xi32, #tpu.memory_space<vmem>>
    %dma_wait3A_294 = tpu.memref_squeeze %dma_wait3A_293 : memref<1x128xi32, #tpu.memory_space<vmem>> -> memref<128xi32, #tpu.memory_space<vmem>>
    %dma_wait3A_295 = arith.constant 0 : i32
    %dma_wait3A_296 = arith.constant 0 : i32
    %dma_wait3A_297 = tpu.memref_slice %arg2[%dma_wait3A_295, %dma_wait3A_296] : memref<100000x128xf32, #tpu.memory_space<hbm>> -> memref<100000x128xf32, #tpu.memory_space<hbm>>
    tpu.wait_indirect_dma semaphore(%arg13 : memref<!tpu.dma_semaphore, #tpu.memory_space<semaphore_mem>>) src(%dma_wait3A_297 : memref<100000x128xf32, #tpu.memory_space<hbm>>) dst(%arg7 : memref<128x128xf32, #tpu.memory_space<vmem>>)
    %add3A_298 = arith.constant 128 : i32
    %add3A_299 = arith.addi %mul3A_2, %add3A_298 : i32
    %dma_start3A_300 = arith.constant 0 : i32
    %dma_start3A_301 = tpu.memref_slice %arg4[%add3A_299, %dma_start3A_300] : memref<16384x256xf32, #tpu.memory_space<hbm>> -> memref<128x128xf32, #tpu.memory_space<hbm>>
    %dma_start3A_302 = arith.constant 0 : i32
    %dma_start3A_303 = tpu.memref_slice %arg4[%add3A_299, %dma_start3A_302] : memref<16384x256xf32, #tpu.memory_space<hbm>> -> memref<128x128xf32, #tpu.memory_space<hbm>>
    tpu.enqueue_dma source(%arg7 : memref<128x128xf32, #tpu.memory_space<vmem>>) target(%dma_start3A_303 : memref<128x128xf32, #tpu.memory_space<hbm>>) target_semaphore(%arg19 : memref<!tpu.dma_semaphore, #tpu.memory_space<semaphore_mem>>)
    %dma_start3A_304 = arith.constant 5 : i32
    %dma_start3A_305 = arith.constant 0 : i32
    %dma_start3A_306 = tpu.memref_slice %arg5[%dma_start3A_304, %dma_start3A_305] : memref<8x128xi32, #tpu.memory_space<vmem>> -> memref<1x128xi32, #tpu.memory_space<vmem>>
    %dma_start3A_307 = tpu.memref_squeeze %dma_start3A_306 : memref<1x128xi32, #tpu.memory_space<vmem>> -> memref<128xi32, #tpu.memory_space<vmem>>
    %dma_start3A_308 = arith.constant 0 : i32
    %dma_start3A_309 = arith.constant 0 : i32
    %dma_start3A_310 = tpu.memref_slice %arg2[%dma_start3A_308, %dma_start3A_309] : memref<100000x128xf32, #tpu.memory_space<hbm>> -> memref<100000x128xf32, #tpu.memory_space<hbm>>
    tpu.enqueue_indirect_dma source(%dma_start3A_310 : memref<100000x128xf32, #tpu.memory_space<hbm>>) target(%arg11 : memref<128x128xf32, #tpu.memory_space<vmem>>) offsets(%dma_start3A_307 : memref<128xi32, #tpu.memory_space<vmem>>) semaphore(%arg17 : memref<!tpu.dma_semaphore, #tpu.memory_space<semaphore_mem>>)
    %dma_wait3A_311 = arith.constant 2 : i32
    %dma_wait3A_312 = arith.constant 0 : i32
    %dma_wait3A_313 = tpu.memref_slice %arg5[%dma_wait3A_311, %dma_wait3A_312] : memref<8x128xi32, #tpu.memory_space<vmem>> -> memref<1x128xi32, #tpu.memory_space<vmem>>
    %dma_wait3A_314 = tpu.memref_squeeze %dma_wait3A_313 : memref<1x128xi32, #tpu.memory_space<vmem>> -> memref<128xi32, #tpu.memory_space<vmem>>
    %dma_wait3A_315 = arith.constant 0 : i32
    %dma_wait3A_316 = arith.constant 0 : i32
    %dma_wait3A_317 = tpu.memref_slice %arg2[%dma_wait3A_315, %dma_wait3A_316] : memref<100000x128xf32, #tpu.memory_space<hbm>> -> memref<100000x128xf32, #tpu.memory_space<hbm>>
    tpu.wait_indirect_dma semaphore(%arg14 : memref<!tpu.dma_semaphore, #tpu.memory_space<semaphore_mem>>) src(%dma_wait3A_317 : memref<100000x128xf32, #tpu.memory_space<hbm>>) dst(%arg8 : memref<128x128xf32, #tpu.memory_space<vmem>>)
    %add3A_318 = arith.constant 256 : i32
    %add3A_319 = arith.addi %mul3A_2, %add3A_318 : i32
    %dma_start3A_320 = arith.constant 0 : i32
    %dma_start3A_321 = tpu.memref_slice %arg4[%add3A_319, %dma_start3A_320] : memref<16384x256xf32, #tpu.memory_space<hbm>> -> memref<128x128xf32, #tpu.memory_space<hbm>>
    %dma_start3A_322 = arith.constant 0 : i32
    %dma_start3A_323 = tpu.memref_slice %arg4[%add3A_319, %dma_start3A_322] : memref<16384x256xf32, #tpu.memory_space<hbm>> -> memref<128x128xf32, #tpu.memory_space<hbm>>
    tpu.enqueue_dma source(%arg8 : memref<128x128xf32, #tpu.memory_space<vmem>>) target(%dma_start3A_323 : memref<128x128xf32, #tpu.memory_space<hbm>>) target_semaphore(%arg20 : memref<!tpu.dma_semaphore, #tpu.memory_space<semaphore_mem>>)
    %dma_wait3A_324 = arith.constant 0 : i32
    %dma_wait3A_325 = tpu.memref_slice %arg4[%add3A_279, %dma_wait3A_324] : memref<16384x256xf32, #tpu.memory_space<hbm>> -> memref<128x128xf32, #tpu.memory_space<hbm>>
    %dma_wait3A_326 = arith.constant 0 : i32
    %dma_wait3A_327 = tpu.memref_slice %arg4[%add3A_279, %dma_wait3A_326] : memref<16384x256xf32, #tpu.memory_space<hbm>> -> memref<128x128xf32, #tpu.memory_space<hbm>>
    tpu.wait_dma2 semaphore(%arg18 : memref<!tpu.dma_semaphore, #tpu.memory_space<semaphore_mem>>) src(%arg6 : memref<128x128xf32, #tpu.memory_space<vmem>>) dst(%dma_wait3A_327 : memref<128x128xf32, #tpu.memory_space<hbm>>)
    %dma_start3A_328 = arith.constant 6 : i32
    %dma_start3A_329 = arith.constant 0 : i32
    %dma_start3A_330 = tpu.memref_slice %arg5[%dma_start3A_328, %dma_start3A_329] : memref<8x128xi32, #tpu.memory_space<vmem>> -> memref<1x128xi32, #tpu.memory_space<vmem>>
    %dma_start3A_331 = tpu.memref_squeeze %dma_start3A_330 : memref<1x128xi32, #tpu.memory_space<vmem>> -> memref<128xi32, #tpu.memory_space<vmem>>
    %dma_start3A_332 = arith.constant 0 : i32
    %dma_start3A_333 = arith.constant 0 : i32
    %dma_start3A_334 = tpu.memref_slice %arg2[%dma_start3A_332, %dma_start3A_333] : memref<100000x128xf32, #tpu.memory_space<hbm>> -> memref<100000x128xf32, #tpu.memory_space<hbm>>
    tpu.enqueue_indirect_dma source(%dma_start3A_334 : memref<100000x128xf32, #tpu.memory_space<hbm>>) target(%arg6 : memref<128x128xf32, #tpu.memory_space<vmem>>) offsets(%dma_start3A_331 : memref<128xi32, #tpu.memory_space<vmem>>) semaphore(%arg12 : memref<!tpu.dma_semaphore, #tpu.memory_space<semaphore_mem>>)
    %dma_wait3A_335 = arith.constant 3 : i32
    %dma_wait3A_336 = arith.constant 0 : i32
    %dma_wait3A_337 = tpu.memref_slice %arg5[%dma_wait3A_335, %dma_wait3A_336] : memref<8x128xi32, #tpu.memory_space<vmem>> -> memref<1x128xi32, #tpu.memory_space<vmem>>
    %dma_wait3A_338 = tpu.memref_squeeze %dma_wait3A_337 : memref<1x128xi32, #tpu.memory_space<vmem>> -> memref<128xi32, #tpu.memory_space<vmem>>
    %dma_wait3A_339 = arith.constant 0 : i32
    %dma_wait3A_340 = arith.constant 0 : i32
    %dma_wait3A_341 = tpu.memref_slice %arg2[%dma_wait3A_339, %dma_wait3A_340] : memref<100000x128xf32, #tpu.memory_space<hbm>> -> memref<100000x128xf32, #tpu.memory_space<hbm>>
    tpu.wait_indirect_dma semaphore(%arg15 : memref<!tpu.dma_semaphore, #tpu.memory_space<semaphore_mem>>) src(%dma_wait3A_341 : memref<100000x128xf32, #tpu.memory_space<hbm>>) dst(%arg9 : memref<128x128xf32, #tpu.memory_space<vmem>>)
    %add3A_342 = arith.constant 384 : i32
    %add3A_343 = arith.addi %mul3A_2, %add3A_342 : i32
    %dma_start3A_344 = arith.constant 0 : i32
    %dma_start3A_345 = tpu.memref_slice %arg4[%add3A_343, %dma_start3A_344] : memref<16384x256xf32, #tpu.memory_space<hbm>> -> memref<128x128xf32, #tpu.memory_space<hbm>>
    %dma_start3A_346 = arith.constant 0 : i32
    %dma_start3A_347 = tpu.memref_slice %arg4[%add3A_343, %dma_start3A_346] : memref<16384x256xf32, #tpu.memory_space<hbm>> -> memref<128x128xf32, #tpu.memory_space<hbm>>
    tpu.enqueue_dma source(%arg9 : memref<128x128xf32, #tpu.memory_space<vmem>>) target(%dma_start3A_347 : memref<128x128xf32, #tpu.memory_space<hbm>>) target_semaphore(%arg21 : memref<!tpu.dma_semaphore, #tpu.memory_space<semaphore_mem>>)
    %dma_wait3A_348 = arith.constant 0 : i32
    %dma_wait3A_349 = tpu.memref_slice %arg4[%add3A_299, %dma_wait3A_348] : memref<16384x256xf32, #tpu.memory_space<hbm>> -> memref<128x128xf32, #tpu.memory_space<hbm>>
    %dma_wait3A_350 = arith.constant 0 : i32
    %dma_wait3A_351 = tpu.memref_slice %arg4[%add3A_299, %dma_wait3A_350] : memref<16384x256xf32, #tpu.memory_space<hbm>> -> memref<128x128xf32, #tpu.memory_space<hbm>>
    tpu.wait_dma2 semaphore(%arg19 : memref<!tpu.dma_semaphore, #tpu.memory_space<semaphore_mem>>) src(%arg7 : memref<128x128xf32, #tpu.memory_space<vmem>>) dst(%dma_wait3A_351 : memref<128x128xf32, #tpu.memory_space<hbm>>)
    %dma_start3A_352 = arith.constant 7 : i32
    %dma_start3A_353 = arith.constant 0 : i32
    %dma_start3A_354 = tpu.memref_slice %arg5[%dma_start3A_352, %dma_start3A_353] : memref<8x128xi32, #tpu.memory_space<vmem>> -> memref<1x128xi32, #tpu.memory_space<vmem>>
    %dma_start3A_355 = tpu.memref_squeeze %dma_start3A_354 : memref<1x128xi32, #tpu.memory_space<vmem>> -> memref<128xi32, #tpu.memory_space<vmem>>
    %dma_start3A_356 = arith.constant 0 : i32
    %dma_start3A_357 = arith.constant 0 : i32
    %dma_start3A_358 = tpu.memref_slice %arg2[%dma_start3A_356, %dma_start3A_357] : memref<100000x128xf32, #tpu.memory_space<hbm>> -> memref<100000x128xf32, #tpu.memory_space<hbm>>
    tpu.enqueue_indirect_dma source(%dma_start3A_358 : memref<100000x128xf32, #tpu.memory_space<hbm>>) target(%arg7 : memref<128x128xf32, #tpu.memory_space<vmem>>) offsets(%dma_start3A_355 : memref<128xi32, #tpu.memory_space<vmem>>) semaphore(%arg13 : memref<!tpu.dma_semaphore, #tpu.memory_space<semaphore_mem>>)
    %dma_wait3A_359 = arith.constant 4 : i32
    %dma_wait3A_360 = arith.constant 0 : i32
    %dma_wait3A_361 = tpu.memref_slice %arg5[%dma_wait3A_359, %dma_wait3A_360] : memref<8x128xi32, #tpu.memory_space<vmem>> -> memref<1x128xi32, #tpu.memory_space<vmem>>
    %dma_wait3A_362 = tpu.memref_squeeze %dma_wait3A_361 : memref<1x128xi32, #tpu.memory_space<vmem>> -> memref<128xi32, #tpu.memory_space<vmem>>
    %dma_wait3A_363 = arith.constant 0 : i32
    %dma_wait3A_364 = arith.constant 0 : i32
    %dma_wait3A_365 = tpu.memref_slice %arg2[%dma_wait3A_363, %dma_wait3A_364] : memref<100000x128xf32, #tpu.memory_space<hbm>> -> memref<100000x128xf32, #tpu.memory_space<hbm>>
    tpu.wait_indirect_dma semaphore(%arg16 : memref<!tpu.dma_semaphore, #tpu.memory_space<semaphore_mem>>) src(%dma_wait3A_365 : memref<100000x128xf32, #tpu.memory_space<hbm>>) dst(%arg10 : memref<128x128xf32, #tpu.memory_space<vmem>>)
    %add3A_366 = arith.constant 0 : i32
    %add3A_367 = arith.addi %mul3A_2, %add3A_366 : i32
    %dma_start3A_368 = arith.constant 128 : i32
    %dma_start3A_369 = tpu.memref_slice %arg4[%add3A_367, %dma_start3A_368] : memref<16384x256xf32, #tpu.memory_space<hbm>> -> memref<128x128xf32, #tpu.memory_space<hbm>>
    %dma_start3A_370 = arith.constant 128 : i32
    %dma_start3A_371 = tpu.memref_slice %arg4[%add3A_367, %dma_start3A_370] : memref<16384x256xf32, #tpu.memory_space<hbm>> -> memref<128x128xf32, #tpu.memory_space<hbm>>
    tpu.enqueue_dma source(%arg10 : memref<128x128xf32, #tpu.memory_space<vmem>>) target(%dma_start3A_371 : memref<128x128xf32, #tpu.memory_space<hbm>>) target_semaphore(%arg22 : memref<!tpu.dma_semaphore, #tpu.memory_space<semaphore_mem>>)
    %dma_wait3A_372 = arith.constant 5 : i32
    %dma_wait3A_373 = arith.constant 0 : i32
    %dma_wait3A_374 = tpu.memref_slice %arg5[%dma_wait3A_372, %dma_wait3A_373] : memref<8x128xi32, #tpu.memory_space<vmem>> -> memref<1x128xi32, #tpu.memory_space<vmem>>
    %dma_wait3A_375 = tpu.memref_squeeze %dma_wait3A_374 : memref<1x128xi32, #tpu.memory_space<vmem>> -> memref<128xi32, #tpu.memory_space<vmem>>
    %dma_wait3A_376 = arith.constant 0 : i32
    %dma_wait3A_377 = arith.constant 0 : i32
    %dma_wait3A_378 = tpu.memref_slice %arg2[%dma_wait3A_376, %dma_wait3A_377] : memref<100000x128xf32, #tpu.memory_space<hbm>> -> memref<100000x128xf32, #tpu.memory_space<hbm>>
    tpu.wait_indirect_dma semaphore(%arg17 : memref<!tpu.dma_semaphore, #tpu.memory_space<semaphore_mem>>) src(%dma_wait3A_378 : memref<100000x128xf32, #tpu.memory_space<hbm>>) dst(%arg11 : memref<128x128xf32, #tpu.memory_space<vmem>>)
    %add3A_379 = arith.constant 128 : i32
    %add3A_380 = arith.addi %mul3A_2, %add3A_379 : i32
    %dma_start3A_381 = arith.constant 128 : i32
    %dma_start3A_382 = tpu.memref_slice %arg4[%add3A_380, %dma_start3A_381] : memref<16384x256xf32, #tpu.memory_space<hbm>> -> memref<128x128xf32, #tpu.memory_space<hbm>>
    %dma_start3A_383 = arith.constant 128 : i32
    %dma_start3A_384 = tpu.memref_slice %arg4[%add3A_380, %dma_start3A_383] : memref<16384x256xf32, #tpu.memory_space<hbm>> -> memref<128x128xf32, #tpu.memory_space<hbm>>
    tpu.enqueue_dma source(%arg11 : memref<128x128xf32, #tpu.memory_space<vmem>>) target(%dma_start3A_384 : memref<128x128xf32, #tpu.memory_space<hbm>>) target_semaphore(%arg23 : memref<!tpu.dma_semaphore, #tpu.memory_space<semaphore_mem>>)
    %dma_wait3A_385 = arith.constant 6 : i32
    %dma_wait3A_386 = arith.constant 0 : i32
    %dma_wait3A_387 = tpu.memref_slice %arg5[%dma_wait3A_385, %dma_wait3A_386] : memref<8x128xi32, #tpu.memory_space<vmem>> -> memref<1x128xi32, #tpu.memory_space<vmem>>
    %dma_wait3A_388 = tpu.memref_squeeze %dma_wait3A_387 : memref<1x128xi32, #tpu.memory_space<vmem>> -> memref<128xi32, #tpu.memory_space<vmem>>
    %dma_wait3A_389 = arith.constant 0 : i32
    %dma_wait3A_390 = arith.constant 0 : i32
    %dma_wait3A_391 = tpu.memref_slice %arg2[%dma_wait3A_389, %dma_wait3A_390] : memref<100000x128xf32, #tpu.memory_space<hbm>> -> memref<100000x128xf32, #tpu.memory_space<hbm>>
    tpu.wait_indirect_dma semaphore(%arg12 : memref<!tpu.dma_semaphore, #tpu.memory_space<semaphore_mem>>) src(%dma_wait3A_391 : memref<100000x128xf32, #tpu.memory_space<hbm>>) dst(%arg6 : memref<128x128xf32, #tpu.memory_space<vmem>>)
    %add3A_392 = arith.constant 256 : i32
    %add3A_393 = arith.addi %mul3A_2, %add3A_392 : i32
    %dma_start3A_394 = arith.constant 128 : i32
    %dma_start3A_395 = tpu.memref_slice %arg4[%add3A_393, %dma_start3A_394] : memref<16384x256xf32, #tpu.memory_space<hbm>> -> memref<128x128xf32, #tpu.memory_space<hbm>>
    %dma_start3A_396 = arith.constant 128 : i32
    %dma_start3A_397 = tpu.memref_slice %arg4[%add3A_393, %dma_start3A_396] : memref<16384x256xf32, #tpu.memory_space<hbm>> -> memref<128x128xf32, #tpu.memory_space<hbm>>
    tpu.enqueue_dma source(%arg6 : memref<128x128xf32, #tpu.memory_space<vmem>>) target(%dma_start3A_397 : memref<128x128xf32, #tpu.memory_space<hbm>>) target_semaphore(%arg18 : memref<!tpu.dma_semaphore, #tpu.memory_space<semaphore_mem>>)
    %dma_wait3A_398 = arith.constant 7 : i32
    %dma_wait3A_399 = arith.constant 0 : i32
    %dma_wait3A_400 = tpu.memref_slice %arg5[%dma_wait3A_398, %dma_wait3A_399] : memref<8x128xi32, #tpu.memory_space<vmem>> -> memref<1x128xi32, #tpu.memory_space<vmem>>
    %dma_wait3A_401 = tpu.memref_squeeze %dma_wait3A_400 : memref<1x128xi32, #tpu.memory_space<vmem>> -> memref<128xi32, #tpu.memory_space<vmem>>
    %dma_wait3A_402 = arith.constant 0 : i32
    %dma_wait3A_403 = arith.constant 0 : i32
    %dma_wait3A_404 = tpu.memref_slice %arg2[%dma_wait3A_402, %dma_wait3A_403] : memref<100000x128xf32, #tpu.memory_space<hbm>> -> memref<100000x128xf32, #tpu.memory_space<hbm>>
    tpu.wait_indirect_dma semaphore(%arg13 : memref<!tpu.dma_semaphore, #tpu.memory_space<semaphore_mem>>) src(%dma_wait3A_404 : memref<100000x128xf32, #tpu.memory_space<hbm>>) dst(%arg7 : memref<128x128xf32, #tpu.memory_space<vmem>>)
    %add3A_405 = arith.constant 384 : i32
    %add3A_406 = arith.addi %mul3A_2, %add3A_405 : i32
    %dma_start3A_407 = arith.constant 128 : i32
    %dma_start3A_408 = tpu.memref_slice %arg4[%add3A_406, %dma_start3A_407] : memref<16384x256xf32, #tpu.memory_space<hbm>> -> memref<128x128xf32, #tpu.memory_space<hbm>>
    %dma_start3A_409 = arith.constant 128 : i32
    %dma_start3A_410 = tpu.memref_slice %arg4[%add3A_406, %dma_start3A_409] : memref<16384x256xf32, #tpu.memory_space<hbm>> -> memref<128x128xf32, #tpu.memory_space<hbm>>
    tpu.enqueue_dma source(%arg7 : memref<128x128xf32, #tpu.memory_space<vmem>>) target(%dma_start3A_410 : memref<128x128xf32, #tpu.memory_space<hbm>>) target_semaphore(%arg19 : memref<!tpu.dma_semaphore, #tpu.memory_space<semaphore_mem>>)
    %dma_wait3A_411 = arith.constant 0 : i32
    %dma_wait3A_412 = tpu.memref_slice %arg4[%add3A_319, %dma_wait3A_411] : memref<16384x256xf32, #tpu.memory_space<hbm>> -> memref<128x128xf32, #tpu.memory_space<hbm>>
    %dma_wait3A_413 = arith.constant 0 : i32
    %dma_wait3A_414 = tpu.memref_slice %arg4[%add3A_319, %dma_wait3A_413] : memref<16384x256xf32, #tpu.memory_space<hbm>> -> memref<128x128xf32, #tpu.memory_space<hbm>>
    tpu.wait_dma2 semaphore(%arg20 : memref<!tpu.dma_semaphore, #tpu.memory_space<semaphore_mem>>) src(%arg8 : memref<128x128xf32, #tpu.memory_space<vmem>>) dst(%dma_wait3A_414 : memref<128x128xf32, #tpu.memory_space<hbm>>)
    %dma_wait3A_415 = arith.constant 0 : i32
    %dma_wait3A_416 = tpu.memref_slice %arg4[%add3A_343, %dma_wait3A_415] : memref<16384x256xf32, #tpu.memory_space<hbm>> -> memref<128x128xf32, #tpu.memory_space<hbm>>
    %dma_wait3A_417 = arith.constant 0 : i32
    %dma_wait3A_418 = tpu.memref_slice %arg4[%add3A_343, %dma_wait3A_417] : memref<16384x256xf32, #tpu.memory_space<hbm>> -> memref<128x128xf32, #tpu.memory_space<hbm>>
    tpu.wait_dma2 semaphore(%arg21 : memref<!tpu.dma_semaphore, #tpu.memory_space<semaphore_mem>>) src(%arg9 : memref<128x128xf32, #tpu.memory_space<vmem>>) dst(%dma_wait3A_418 : memref<128x128xf32, #tpu.memory_space<hbm>>)
    %dma_wait3A_419 = arith.constant 128 : i32
    %dma_wait3A_420 = tpu.memref_slice %arg4[%add3A_367, %dma_wait3A_419] : memref<16384x256xf32, #tpu.memory_space<hbm>> -> memref<128x128xf32, #tpu.memory_space<hbm>>
    %dma_wait3A_421 = arith.constant 128 : i32
    %dma_wait3A_422 = tpu.memref_slice %arg4[%add3A_367, %dma_wait3A_421] : memref<16384x256xf32, #tpu.memory_space<hbm>> -> memref<128x128xf32, #tpu.memory_space<hbm>>
    tpu.wait_dma2 semaphore(%arg22 : memref<!tpu.dma_semaphore, #tpu.memory_space<semaphore_mem>>) src(%arg10 : memref<128x128xf32, #tpu.memory_space<vmem>>) dst(%dma_wait3A_422 : memref<128x128xf32, #tpu.memory_space<hbm>>)
    %dma_wait3A_423 = arith.constant 128 : i32
    %dma_wait3A_424 = tpu.memref_slice %arg4[%add3A_380, %dma_wait3A_423] : memref<16384x256xf32, #tpu.memory_space<hbm>> -> memref<128x128xf32, #tpu.memory_space<hbm>>
    %dma_wait3A_425 = arith.constant 128 : i32
    %dma_wait3A_426 = tpu.memref_slice %arg4[%add3A_380, %dma_wait3A_425] : memref<16384x256xf32, #tpu.memory_space<hbm>> -> memref<128x128xf32, #tpu.memory_space<hbm>>
    tpu.wait_dma2 semaphore(%arg23 : memref<!tpu.dma_semaphore, #tpu.memory_space<semaphore_mem>>) src(%arg11 : memref<128x128xf32, #tpu.memory_space<vmem>>) dst(%dma_wait3A_426 : memref<128x128xf32, #tpu.memory_space<hbm>>)
    %dma_wait3A_427 = arith.constant 128 : i32
    %dma_wait3A_428 = tpu.memref_slice %arg4[%add3A_393, %dma_wait3A_427] : memref<16384x256xf32, #tpu.memory_space<hbm>> -> memref<128x128xf32, #tpu.memory_space<hbm>>
    %dma_wait3A_429 = arith.constant 128 : i32
    %dma_wait3A_430 = tpu.memref_slice %arg4[%add3A_393, %dma_wait3A_429] : memref<16384x256xf32, #tpu.memory_space<hbm>> -> memref<128x128xf32, #tpu.memory_space<hbm>>
    tpu.wait_dma2 semaphore(%arg18 : memref<!tpu.dma_semaphore, #tpu.memory_space<semaphore_mem>>) src(%arg6 : memref<128x128xf32, #tpu.memory_space<vmem>>) dst(%dma_wait3A_430 : memref<128x128xf32, #tpu.memory_space<hbm>>)
    %dma_wait3A_431 = arith.constant 128 : i32
    %dma_wait3A_432 = tpu.memref_slice %arg4[%add3A_406, %dma_wait3A_431] : memref<16384x256xf32, #tpu.memory_space<hbm>> -> memref<128x128xf32, #tpu.memory_space<hbm>>
    %dma_wait3A_433 = arith.constant 128 : i32
    %dma_wait3A_434 = tpu.memref_slice %arg4[%add3A_406, %dma_wait3A_433] : memref<16384x256xf32, #tpu.memory_space<hbm>> -> memref<128x128xf32, #tpu.memory_space<hbm>>
    tpu.wait_dma2 semaphore(%arg19 : memref<!tpu.dma_semaphore, #tpu.memory_space<semaphore_mem>>) src(%arg7 : memref<128x128xf32, #tpu.memory_space<vmem>>) dst(%dma_wait3A_434 : memref<128x128xf32, #tpu.memory_space<hbm>>)
    return
  }
}

module attributes {stable_mosaic.version = 14 : i64} {
  func.func @_norm_body(%arg0: i32, %arg1: memref<4x1x128xf32, #tpu.memory_space<vmem>>, %arg2: memref<1x4096x2xf32, #tpu.memory_space<vmem>>, %arg3: memref<4096x256xf32, #tpu.memory_space<vmem>>, %arg4: memref<2x128xf32, #tpu.memory_space<vmem>>, %arg5: memref<128x128xf32, #tpu.memory_space<vmem>>, %arg6: memref<1x128xf32, #tpu.memory_space<vmem>>, %arg7: memref<128x128xf32, #tpu.memory_space<vmem>>, %arg8: memref<1x128xf32, #tpu.memory_space<vmem>>, %arg9: memref<1x256xf32, #tpu.memory_space<vmem>>, %arg10: memref<1x256xf32, #tpu.memory_space<vmem>>, %arg11: memref<1x4096x256xf32, #tpu.memory_space<vmem>>, %arg12: memref<4x128xf32, #tpu.memory_space<vmem>>) attributes {dimension_semantics = [#tpu.dimension_semantics<arbitrary>], iteration_bounds = array<i64: 4>, scalar_prefetch = 0 : i64, scratch_operands = 1 : i64, tpu.core_type = #tpu.core_type<tc>, window_params = [{pipeline_mode = #tpu.pipeline_mode<synchronous>, transform_indices = @transform_0, window_bounds = array<i64: 4, 1, 128>}, {transform_indices = @transform_1, window_bounds = array<i64: 1, 4096, 2>}, {transform_indices = @transform_2, window_bounds = array<i64: 4096, 256>}, {pipeline_mode = #tpu.pipeline_mode<synchronous>, transform_indices = @transform_3, window_bounds = array<i64: 2, 128>}, {pipeline_mode = #tpu.pipeline_mode<synchronous>, transform_indices = @transform_4, window_bounds = array<i64: 128, 128>}, {pipeline_mode = #tpu.pipeline_mode<synchronous>, transform_indices = @transform_5, window_bounds = array<i64: 1, 128>}, {pipeline_mode = #tpu.pipeline_mode<synchronous>, transform_indices = @transform_6, window_bounds = array<i64: 128, 128>}, {pipeline_mode = #tpu.pipeline_mode<synchronous>, transform_indices = @transform_7, window_bounds = array<i64: 1, 128>}, {pipeline_mode = #tpu.pipeline_mode<synchronous>, transform_indices = @transform_8, window_bounds = array<i64: 1, 256>}, {pipeline_mode = #tpu.pipeline_mode<synchronous>, transform_indices = @transform_9, window_bounds = array<i64: 1, 256>}, {transform_indices = @transform_10, window_bounds = array<i64: 1, 4096, 256>}]} {
    %eq3A = arith.constant 0 : i32
    %eq3A_0 = arith.cmpi eq, %arg0, %eq3A : i32
    %convert_element_type3A = arith.extui %eq3A_0 : i1 to i32
    %cond3A = arith.constant 0 : i32
    %cond3A_1 = arith.cmpi ne, %convert_element_type3A, %cond3A : i32
    scf.if %cond3A_1 {
      %get3A_81 = arith.constant 0 : index
      %get3A_82 = arith.constant 0 : index
      %get3A_83 = arith.constant 0 : index
      %get3A_84 = vector.load %arg1[%get3A_81, %get3A_82, %get3A_83] : memref<4x1x128xf32, #tpu.memory_space<vmem>>, vector<4x1x128xf32>
      %get3A_85 = vector.shape_cast %get3A_84 : vector<4x1x128xf32> to vector<4x128xf32>
      %iota3A = tpu.iota {dimensions = array<i32: 1>} : vector<4x128xi32>
      %lt3A = arith.constant 64 : i32
      %lt3A_86 = vector.broadcast %lt3A : i32 to vector<4x128xi32>
      %lt3A_87 = arith.cmpi slt, %iota3A, %lt3A_86 : vector<4x128xi32>
      %sub3A_88 = arith.constant 64 : i32
      %sub3A_89 = vector.broadcast %sub3A_88 : i32 to vector<4x128xi32>
      %sub3A_90 = arith.subi %iota3A, %sub3A_89 : vector<4x128xi32>
      %select_n3A_91 = arith.select %lt3A_87, %iota3A, %sub3A_90 : vector<4x128xi1>, vector<4x128xi32>
      %convert_element_type3A_92 = arith.sitofp %select_n3A_91 : vector<4x128xi32> to vector<4x128xf32>
      %mul3A_93 = arith.constant -0.14391157 : f32
      %mul3A_94 = vector.broadcast %mul3A_93 : f32 to vector<4x128xf32>
      %mul3A_95 = arith.mulf %mul3A_94, %convert_element_type3A_92 : vector<4x128xf32>
      %exp3A = math.exp %mul3A_95 : vector<4x128xf32>
      %mul3A_96 = arith.mulf %get3A_85, %exp3A : vector<4x128xf32>
      %cos3A = math.cos %mul3A_96 : vector<4x128xf32>
      %sin3A = math.sin %mul3A_96 : vector<4x128xf32>
      %select_n3A_97 = arith.select %lt3A_87, %cos3A, %sin3A : vector<4x128xi1>, vector<4x128xf32>
      %get3A_98 = arith.constant 0 : index
      %get3A_99 = arith.constant 0 : index
      %get3A_100 = vector.load %arg5[%get3A_98, %get3A_99] : memref<128x128xf32, #tpu.memory_space<vmem>>, vector<128x128xf32>
      %dot_general3A = arith.constant dense<0.000000e+00> : vector<4x128xf32>
      %dot_general3A_101 = tpu.matmul %select_n3A_97, %get3A_100, %dot_general3A {dimension_numbers = #tpu.dot_dimension_numbers<[1], [0], [0], [1], [0, 0, 1, 1], [], []>, transpose_lhs_hint = false} : vector<4x128xf32>, vector<128x128xf32>, vector<4x128xf32> -> vector<4x128xf32>
      %get3A_102 = arith.constant 0 : index
      %get3A_103 = arith.constant 0 : index
      %get3A_104 = vector.load %arg6[%get3A_102, %get3A_103] : memref<1x128xf32, #tpu.memory_space<vmem>>, vector<1x128xf32>
      %add3A_105 = vector.broadcast %get3A_104 : vector<1x128xf32> to vector<4x128xf32>
      %add3A_106 = arith.addf %dot_general3A_101, %add3A_105 : vector<4x128xf32>
      %logistic3A = arith.negf %add3A_106 : vector<4x128xf32>
      %logistic3A_107 = math.exp %logistic3A : vector<4x128xf32>
      %logistic3A_108 = arith.constant 1.000000e+00 : f32
      %logistic3A_109 = vector.broadcast %logistic3A_108 : f32 to vector<4x128xf32>
      %logistic3A_110 = arith.addf %logistic3A_109, %logistic3A_107 : vector<4x128xf32>
      %logistic3A_111 = arith.divf %logistic3A_109, %logistic3A_110 : vector<4x128xf32>
      %mul3A_112 = arith.mulf %add3A_106, %logistic3A_111 : vector<4x128xf32>
      %get3A_113 = arith.constant 0 : index
      %get3A_114 = arith.constant 0 : index
      %get3A_115 = vector.load %arg7[%get3A_113, %get3A_114] : memref<128x128xf32, #tpu.memory_space<vmem>>, vector<128x128xf32>
      %dot_general3A_116 = arith.constant dense<0.000000e+00> : vector<4x128xf32>
      %dot_general3A_117 = tpu.matmul %mul3A_112, %get3A_115, %dot_general3A_116 {dimension_numbers = #tpu.dot_dimension_numbers<[1], [0], [0], [1], [0, 0, 1, 1], [], []>, transpose_lhs_hint = false} : vector<4x128xf32>, vector<128x128xf32>, vector<4x128xf32> -> vector<4x128xf32>
      %get3A_118 = arith.constant 0 : index
      %get3A_119 = arith.constant 0 : index
      %get3A_120 = vector.load %arg8[%get3A_118, %get3A_119] : memref<1x128xf32, #tpu.memory_space<vmem>>, vector<1x128xf32>
      %add3A_121 = vector.broadcast %get3A_120 : vector<1x128xf32> to vector<4x128xf32>
      %add3A_122 = arith.addf %dot_general3A_117, %add3A_121 : vector<4x128xf32>
      %get3A_123 = arith.constant 0 : index
      %get3A_124 = arith.constant 0 : index
      %get3A_125 = vector.load %arg4[%get3A_123, %get3A_124] : memref<2x128xf32, #tpu.memory_space<vmem>>, vector<1x128xf32>
      %add3A_126 = vector.broadcast %get3A_125 : vector<1x128xf32> to vector<4x128xf32>
      %add3A_127 = arith.addf %add3A_122, %add3A_126 : vector<4x128xf32>
      %swap3A_128 = arith.constant 0 : index
      %swap3A_129 = arith.constant 0 : index
      %swap3A_130 = vector.load %arg12[%swap3A_128, %swap3A_129] : memref<4x128xf32, #tpu.memory_space<vmem>>, vector<4x128xf32>
      tpu.vector_store %arg12[%swap3A_128, %swap3A_129], %add3A_127 {strides = array<i32>} : memref<4x128xf32, #tpu.memory_space<vmem>>, vector<4x128xf32>,
    } else {
    }
    %jit3A = arith.constant 1 : i32
    %div3A = arith.divsi %arg0, %jit3A : i32
    %sign3A = arith.constant 0 : i32
    %sign3A_2 = arith.cmpi sgt, %arg0, %sign3A : i32
    %sign3A_3 = arith.extui %sign3A_2 : i1 to i32
    %sign3A_4 = arith.constant 0 : i32
    %sign3A_5 = arith.cmpi slt, %arg0, %sign3A_4 : i32
    %sign3A_6 = arith.extui %sign3A_5 : i1 to i32
    %sign3A_7 = arith.subi %sign3A_3, %sign3A_6 : i32
    %sign3A_8 = arith.constant 0 : i32
    %sign3A_9 = arith.cmpi sgt, %jit3A, %sign3A_8 : i32
    %sign3A_10 = arith.extui %sign3A_9 : i1 to i32
    %sign3A_11 = arith.constant 0 : i32
    %sign3A_12 = arith.cmpi slt, %jit3A, %sign3A_11 : i32
    %sign3A_13 = arith.extui %sign3A_12 : i1 to i32
    %sign3A_14 = arith.subi %sign3A_10, %sign3A_13 : i32
    %ne3A = arith.cmpi ne, %sign3A_7, %sign3A_14 : i32
    %rem3A = arith.remsi %arg0, %jit3A : i32
    %ne3A_15 = arith.constant 0 : i32
    %ne3A_16 = arith.cmpi ne, %rem3A, %ne3A_15 : i32
    %and3A = arith.andi %ne3A, %ne3A_16 : i1
    %sub3A = arith.constant 1 : i32
    %sub3A_17 = arith.subi %div3A, %sub3A : i32
    %select_n3A = arith.select %and3A, %sub3A_17, %div3A : i32
    %get3A = arith.index_cast %select_n3A : i32 to index
    %get3A_18 = arith.constant 0 : index
    %get3A_19 = vector.load %arg12[%get3A, %get3A_18] : memref<4x128xf32, #tpu.memory_space<vmem>>, vector<1x128xf32>
    %get3A_20 = arith.constant 1 : index
    %get3A_21 = arith.constant 0 : index
    %get3A_22 = vector.load %arg4[%get3A_20, %get3A_21] : memref<2x128xf32, #tpu.memory_space<vmem>>, vector<1x128xf32>
    %get3A_23 = arith.constant 0 : index
    %get3A_24 = arith.constant 0 : index
    %get3A_25 = vector.load %arg4[%get3A_23, %get3A_24] : memref<2x128xf32, #tpu.memory_space<vmem>>, vector<1x128xf32>
    %sub3A_26 = arith.subf %get3A_22, %get3A_25 : vector<1x128xf32>
    %get3A_27 = arith.constant 0 : index
    %get3A_28 = arith.constant 0 : index
    %get3A_29 = vector.load %arg3[%get3A_27, %get3A_28] : memref<4096x256xf32, #tpu.memory_space<vmem>>, vector<4096x256xf32>
    %get3A_30 = arith.constant 0 : index
    %get3A_31 = arith.constant 0 : index
    %get3A_32 = arith.constant 0 : index
    %get3A_33 = vector.load %arg2[%get3A_30, %get3A_31, %get3A_32] : memref<1x4096x2xf32, #tpu.memory_space<vmem>>, vector<1x4096x2xf32>
    %get3A_34 = vector.shape_cast %get3A_33 : vector<1x4096x2xf32> to vector<4096x2xf32>
    %slice3A = vector.extract_strided_slice %get3A_29 {offsets = [0, 0], sizes = [4096, 128], strides = [1, 1]} : vector<4096x256xf32> to vector<4096x128xf32>
    %add3A = vector.broadcast %get3A_19 : vector<1x128xf32> to vector<4096x128xf32>
    %add3A_35 = arith.addf %slice3A, %add3A : vector<4096x128xf32>
    %slice3A_36 = vector.extract_strided_slice %get3A_34 {offsets = [0, 0], sizes = [4096, 1], strides = [1, 1]} : vector<4096x2xf32> to vector<4096x1xf32>
    %mul3A = vector.broadcast %slice3A_36 : vector<4096x1xf32> to vector<4096x128xf32>
    %mul3A_37 = vector.broadcast %sub3A_26 : vector<1x128xf32> to vector<4096x128xf32>
    %mul3A_38 = arith.mulf %mul3A, %mul3A_37 : vector<4096x128xf32>
    %add3A_39 = arith.addf %add3A_35, %mul3A_38 : vector<4096x128xf32>
    %slice3A_40 = vector.extract_strided_slice %get3A_29 {offsets = [0, 128], sizes = [4096, 128], strides = [1, 1]} : vector<4096x256xf32> to vector<4096x128xf32>
    %add3A_41 = vector.broadcast %get3A_19 : vector<1x128xf32> to vector<4096x128xf32>
    %add3A_42 = arith.addf %slice3A_40, %add3A_41 : vector<4096x128xf32>
    %slice3A_43 = vector.extract_strided_slice %get3A_34 {offsets = [0, 1], sizes = [4096, 1], strides = [1, 1]} : vector<4096x2xf32> to vector<4096x1xf32>
    %mul3A_44 = vector.broadcast %slice3A_43 : vector<4096x1xf32> to vector<4096x128xf32>
    %mul3A_45 = vector.broadcast %sub3A_26 : vector<1x128xf32> to vector<4096x128xf32>
    %mul3A_46 = arith.mulf %mul3A_44, %mul3A_45 : vector<4096x128xf32>
    %add3A_47 = arith.addf %add3A_42, %mul3A_46 : vector<4096x128xf32>
    %concatenate3A = tpu.concatenate %add3A_39, %add3A_47 in 1 : vector<4096x128xf32>, vector<4096x128xf32> -> vector<4096x256xf32>
    %reduce_sum3A = arith.constant dense<0.000000e+00> : vector<4096xf32>
    %reduce_sum3A_48 = vector.multi_reduction <add>, %concatenate3A, %reduce_sum3A [1] : vector<4096x256xf32> to vector<4096xf32>
    %broadcast_in_dim3A = vector.shape_cast %reduce_sum3A_48 : vector<4096xf32> to vector<4096x1xf32>
    %div3A_49 = arith.constant 2.560000e+02 : f32
    %div3A_50 = vector.broadcast %div3A_49 : f32 to vector<4096x1xf32>
    %div3A_51 = arith.divf %broadcast_in_dim3A, %div3A_50 : vector<4096x1xf32>
    %sub3A_52 = vector.broadcast %div3A_51 : vector<4096x1xf32> to vector<4096x256xf32>
    %sub3A_53 = arith.subf %concatenate3A, %sub3A_52 : vector<4096x256xf32>
    %mul3A_54 = arith.mulf %sub3A_53, %sub3A_53 : vector<4096x256xf32>
    %reduce_sum3A_55 = arith.constant dense<0.000000e+00> : vector<4096xf32>
    %reduce_sum3A_56 = vector.multi_reduction <add>, %mul3A_54, %reduce_sum3A_55 [1] : vector<4096x256xf32> to vector<4096xf32>
    %broadcast_in_dim3A_57 = vector.shape_cast %reduce_sum3A_56 : vector<4096xf32> to vector<4096x1xf32>
    %div3A_58 = arith.constant 2.560000e+02 : f32
    %div3A_59 = vector.broadcast %div3A_58 : f32 to vector<4096x1xf32>
    %div3A_60 = arith.divf %broadcast_in_dim3A_57, %div3A_59 : vector<4096x1xf32>
    %add3A_61 = arith.constant 9.99999996E-13 : f32
    %add3A_62 = vector.broadcast %add3A_61 : f32 to vector<4096x1xf32>
    %add3A_63 = arith.addf %div3A_60, %add3A_62 : vector<4096x1xf32>
    %rsqrt3A = math.rsqrt %add3A_63 : vector<4096x1xf32>
    %mul3A_64 = vector.broadcast %rsqrt3A : vector<4096x1xf32> to vector<4096x256xf32>
    %mul3A_65 = arith.mulf %sub3A_53, %mul3A_64 : vector<4096x256xf32>
    %get3A_66 = arith.constant 0 : index
    %get3A_67 = arith.constant 0 : index
    %get3A_68 = vector.load %arg9[%get3A_66, %get3A_67] : memref<1x256xf32, #tpu.memory_space<vmem>>, vector<1x256xf32>
    %mul3A_69 = vector.broadcast %get3A_68 : vector<1x256xf32> to vector<4096x256xf32>
    %mul3A_70 = arith.mulf %mul3A_65, %mul3A_69 : vector<4096x256xf32>
    %get3A_71 = arith.constant 0 : index
    %get3A_72 = arith.constant 0 : index
    %get3A_73 = vector.load %arg10[%get3A_71, %get3A_72] : memref<1x256xf32, #tpu.memory_space<vmem>>, vector<1x256xf32>
    %add3A_74 = vector.broadcast %get3A_73 : vector<1x256xf32> to vector<4096x256xf32>
    %add3A_75 = arith.addf %mul3A_70, %add3A_74 : vector<4096x256xf32>
    %swap3A = arith.constant 0 : index
    %swap3A_76 = arith.constant 0 : index
    %swap3A_77 = arith.constant 0 : index
    %swap3A_78 = vector.load %arg11[%swap3A, %swap3A_76, %swap3A_77] : memref<1x4096x256xf32, #tpu.memory_space<vmem>>, vector<1x4096x256xf32>
    %swap3A_79 = vector.shape_cast %swap3A_78 : vector<1x4096x256xf32> to vector<4096x256xf32>
    %swap3A_80 = vector.shape_cast %add3A_75 : vector<4096x256xf32> to vector<1x4096x256xf32>
    tpu.vector_store %arg11[%swap3A, %swap3A_76, %swap3A_77], %swap3A_80 {strides = array<i32>} : memref<1x4096x256xf32, #tpu.memory_space<vmem>>, vector<1x4096x256xf32>,
    return
  }
  func.func @transform_0(%arg0: i32) -> (i32, i32, i32) {
    %c0_i32 = arith.constant 0 : i32
    %c0_i32_0 = arith.constant 0 : i32
    %c0_i32_1 = arith.constant 0 : i32
    %c0_i32_2 = arith.constant 0 : i32
    return %c0_i32, %c0_i32_0, %c0_i32_1 : i32, i32, i32
  }
  func.func @transform_1(%arg0: i32) -> (i32, i32, i32) {
    %c0_i32 = arith.constant 0 : i32
    %c0_i32_0 = arith.constant 0 : i32
    %c0_i32_1 = arith.constant 0 : i32
    return %arg0, %c0_i32, %c0_i32_0 : i32, i32, i32
  }
  func.func @transform_2(%arg0: i32) -> (i32, i32) {
    %c0_i32 = arith.constant 0 : i32
    %c0_i32_0 = arith.constant 0 : i32
    return %arg0, %c0_i32 : i32, i32
  }
  func.func @transform_3(%arg0: i32) -> (i32, i32) {
    %c0_i32 = arith.constant 0 : i32
    %c0_i32_0 = arith.constant 0 : i32
    %c0_i32_1 = arith.constant 0 : i32
    return %c0_i32, %c0_i32_0 : i32, i32
  }
  func.func @transform_4(%arg0: i32) -> (i32, i32) {
    %c0_i32 = arith.constant 0 : i32
    %c0_i32_0 = arith.constant 0 : i32
    %c0_i32_1 = arith.constant 0 : i32
    return %c0_i32, %c0_i32_0 : i32, i32
  }
  func.func @transform_5(%arg0: i32) -> (i32, i32) {
    %c0_i32 = arith.constant 0 : i32
    %c0_i32_0 = arith.constant 0 : i32
    %c0_i32_1 = arith.constant 0 : i32
    return %c0_i32, %c0_i32_0 : i32, i32
  }
  func.func @transform_6(%arg0: i32) -> (i32, i32) {
    %c0_i32 = arith.constant 0 : i32
    %c0_i32_0 = arith.constant 0 : i32
    %c0_i32_1 = arith.constant 0 : i32
    return %c0_i32, %c0_i32_0 : i32, i32
  }
  func.func @transform_7(%arg0: i32) -> (i32, i32) {
    %c0_i32 = arith.constant 0 : i32
    %c0_i32_0 = arith.constant 0 : i32
    %c0_i32_1 = arith.constant 0 : i32
    return %c0_i32, %c0_i32_0 : i32, i32
  }
  func.func @transform_8(%arg0: i32) -> (i32, i32) {
    %c0_i32 = arith.constant 0 : i32
    %c0_i32_0 = arith.constant 0 : i32
    %c0_i32_1 = arith.constant 0 : i32
    return %c0_i32, %c0_i32_0 : i32, i32
  }
  func.func @transform_9(%arg0: i32) -> (i32, i32) {
    %c0_i32 = arith.constant 0 : i32
    %c0_i32_0 = arith.constant 0 : i32
    %c0_i32_1 = arith.constant 0 : i32
    return %c0_i32, %c0_i32_0 : i32, i32
  }
  func.func @transform_10(%arg0: i32) -> (i32, i32, i32) {
    %jit3A = arith.constant 1 : i32
    %div3A = arith.divsi %arg0, %jit3A : i32
    %sign3A = arith.constant 0 : i32
    %sign3A_0 = arith.cmpi sgt, %arg0, %sign3A : i32
    %sign3A_1 = arith.extui %sign3A_0 : i1 to i32
    %sign3A_2 = arith.constant 0 : i32
    %sign3A_3 = arith.cmpi slt, %arg0, %sign3A_2 : i32
    %sign3A_4 = arith.extui %sign3A_3 : i1 to i32
    %sign3A_5 = arith.subi %sign3A_1, %sign3A_4 : i32
    %sign3A_6 = arith.constant 0 : i32
    %sign3A_7 = arith.cmpi sgt, %jit3A, %sign3A_6 : i32
    %sign3A_8 = arith.extui %sign3A_7 : i1 to i32
    %sign3A_9 = arith.constant 0 : i32
    %sign3A_10 = arith.cmpi slt, %jit3A, %sign3A_9 : i32
    %sign3A_11 = arith.extui %sign3A_10 : i1 to i32
    %sign3A_12 = arith.subi %sign3A_8, %sign3A_11 : i32
    %ne3A = arith.cmpi ne, %sign3A_5, %sign3A_12 : i32
    %rem3A = arith.remsi %arg0, %jit3A : i32
    %ne3A_13 = arith.constant 0 : i32
    %ne3A_14 = arith.cmpi ne, %rem3A, %ne3A_13 : i32
    %and3A = arith.andi %ne3A, %ne3A_14 : i1
    %sub3A = arith.constant 1 : i32
    %sub3A_15 = arith.subi %div3A, %sub3A : i32
    %select_n3A = arith.select %and3A, %sub3A_15, %div3A : i32
    %jit3A_16 = arith.constant 1 : i32
    %eq3A = arith.constant 0 : i32
    %eq3A_17 = arith.cmpi eq, %jit3A_16, %eq3A : i32
    %jit3A_18 = arith.constant 1 : i32
    %select_n3A_19 = arith.select %eq3A_17, %jit3A_18, %jit3A_16 : i32
    %rem3A_20 = arith.remsi %arg0, %select_n3A_19 : i32
    %ne3A_21 = arith.constant 0 : i32
    %ne3A_22 = arith.cmpi ne, %rem3A_20, %ne3A_21 : i32
    %lt3A = arith.constant 0 : i32
    %lt3A_23 = arith.cmpi slt, %rem3A_20, %lt3A : i32
    %lt3A_24 = arith.constant 0 : i32
    %lt3A_25 = arith.cmpi slt, %select_n3A_19, %lt3A_24 : i32
    %ne3A_26 = arith.xori %lt3A_23, %lt3A_25 : i1
    %and3A_27 = arith.andi %ne3A_26, %ne3A_22 : i1
    %add3A = arith.addi %rem3A_20, %select_n3A_19 : i32
    %select_n3A_28 = arith.select %and3A_27, %add3A, %rem3A_20 : i32
    %c0_i32 = arith.constant 0 : i32
    %c0_i32_29 = arith.constant 0 : i32
    return %select_n3A, %select_n3A_28, %c0_i32 : i32, i32, i32
  }
}

</mosaic_0001>

<sc_bundles>
// kernel: kernel.4.cloned.1.call-start
scs
__scs_entry_jumppad:
0x0: {  	(pc) =	sbr.rel $0x88, $3  }
0x1: {  	(tag) =	ssettag $0x0;
	lr =	simm.s32 $0x1  }
0x2: {  	[smem:$0x3F96] =	sst lr;
	_ =	strace $0xD0000000  }
0x3: {  	_ = 	snop  }
0x4: {  	_ = 	snop  }
0x5: {  	_ = 	snop  }
0x6: {  	_ = 	snop  }
0x7: {  	_ = 	snop  }
__scs_overlays_trampoline_lowered:
0x8: {  	[smem:$0x3FA5] =	sst s0  }
0x9: {  	[smem:$0x3FA6] =	sst s1  }
0xa: {  	[smem:$0x3FA7] =	sst s2  }
0xb: {  	[smem:$0x3FA8] =	sst s3  }
0xc: {  	[smem:$0x3FA9] =	sst s4  }
0xd: {  	[smem:$0x3FAA] =	sst s5  }
0xe: {  	[smem:$0x3FAB] =	sst s6  }
0xf: {  	[smem:$0x3FAC] =	sst s7  }
0x10: {  	[smem:$0x3FAD] =	sst s8  }
0x11: {  	[smem:$0x3FAE] =	sst s9;
	s0 =	simm.s32 @!p0 $0x0  }
0x12: {  	s1 =	sld [smem:$0x3F94];
	s0 =	simm.s32 @p0 $0x1  }
0x13: {  	[smem:$0x3FAF] =	sst s0;
	s0 =	simm.s32 @!p1 $0x0  }
0x14: {  	s2 =	sld [smem:$0x3F93];
	s0 =	simm.s32 @p1 $0x1  }
0x15: {  	[smem:$0x3FB0] =	sst s0;
	s0 =	simm.s32 @!p2 $0x0  }
0x16: {  	s3 =	sld [smem:$0x3FDB];
	s0 =	simm.s32 @p2 $0x1  }
0x17: {  	s4 =	simm.s32 $0x1BF5;
	[smem:$0x3FB2] =	sst s0  }
0x18: {  	s0 =	sld [smem:$0x3F95];
	_ =	swait.ge [sflag:s4], $0x0  }
0x19: {  	s7 =	sld [smem:$0x3F96]  }
0x1a: {  	s8 =	sadd.s32 $0xFFFFE003, lr  }
0x1b: {  	s9 =	sadd.s32 $0xFFFFFEF7, lr;
	s5 =	simm.s32 $0xFFFFFFFF;
	p2 =	slt.u32 s8, $0xFFFFF086  }
0x1c: {  	p1 =	slt.u32 s9, $0xF7A;
	s5 =	simm.s32 @!p2 $0x0  }
0x1d: {  	s5 =	simm.s32 @p1 $0x1;
	p0 =	seq.s32 s7, s2  }
0x1e: {  	s7 =	smul.u32 @!p0 $0xF7A, s2;
	p2 =	seq.s32 @!p0 s5, $0x0  }
0x1f: {  	s9 =	smul.u32 $0xF7A, s1;
	s8 =	simm.s32 @!p0 $0x1BF5;
	p2 =	por !p2, p0  }
0x20: {  	[sflag:s8] =	ssyncset.s32 @!p0 $0xFFFFF086;
	s6 =	sadd.s32 @!p0 s3, s7;
	s7 =	simm.s32 @!p0 $0x108  }
0x21: {  	s3 =	sadd.s32 s3, s9;
	s6 =	sadd.s32 @!p0 $0x88, s6;
	s7 =	simm.s32 @p2 $0x1082  }
0x22: {  	[simem:s7], [sflag:s8] =	dma.local @!p0 [hbm:s6], $0xF7A  }
0x23: {  	s9 =	sor.u32 $0xD0000000, s2;
	s6 =	simm.s32 $0x108;
	_ =	swait.ge @!p0 [sflag:s8], $0x0  }
0x24: {  	s3 =	sadd.s32 $0x88, s3;
	s6 =	simm.s32 @!p1 $0x1082;
	[sflag:s4] =	ssyncset.s32 $0xFFFFF086  }
0x25: {  	[simem:s6], [sflag:s4] =	dma.local [hbm:s3], $0xF7A  }
0x26: {  	[smem:$0x3F96] =	sst s1;
	(tag) =	ssettag s2;
	_ =	strace s9  }
0x27: {  	s1 =	sld [smem:$0x3FA6]  }
0x28: {  	s2 =	sld [smem:$0x3FA7]  }
0x29: {  	s4 =	sld [smem:$0x3FA9]  }
0x2a: {  	p0 =	seq.s32 s5, $0x0;
	s5 =	sld [smem:$0x3FAA]  }
0x2b: {  	s6 =	sld [smem:$0x3FAB]  }
0x2c: {  	s7 =	sld [smem:$0x3FAC]  }
0x2d: {  	s3 =	simm.s32 $0x108;
	s8 =	sld [smem:$0x3FAD]  }
0x2e: {  	s3 =	simm.s32 @!p0 $0x1082;
	s9 =	sld [smem:$0x3FAE]  }
0x2f: {  	lr =	sadd.s32 s0, s3;
	s0 =	sld [smem:$0x3FA5]  }
0x30: {  	s3 =	sld [smem:$0x3FA8]  }
0x31: {  	[smem:$0x3FB1] =	sst s10  }
0x32: {  	s10 =	sld [smem:$0x3FAF];
	_ =	sdelay $0x3  }
0x33: {  	p0 =	seq.s32 s10, $0x1;
	s10 =	sld [smem:$0x3FB1];
	_ =	sdelay $0x3  }
0x34: {  	[smem:$0x3FB1] =	sst s10  }
0x35: {  	s10 =	sld [smem:$0x3FB0];
	_ =	sdelay $0x3  }
0x36: {  	p1 =	seq.s32 s10, $0x1;
	s10 =	sld [smem:$0x3FB1];
	_ =	sdelay $0x3  }
0x37: {  	[smem:$0x3FB1] =	sst s10  }
0x38: {  	s10 =	sld [smem:$0x3FB2]  }
0x39: {  	_ = 	snop;
	(pc) =	sbr.ind lr, $3  }
0x3a: {  	_ = 	snop  }
0x3b: {  	_ = 	snop  }
0x3c: {  	p2 =	seq.s32 s10, $0x1;
	s10 =	sld [smem:$0x3FB1]  }
0x3d: {  	_ =	shalt  }
0x3e: {  	_ =	shalt  }
0x3f: {  	_ =	shalt  }
0x40: {  	_ =	shalt  }
0x41: {  	_ =	shalt  }
0x42: {  	_ =	shalt  }
0x43: {  	_ =	shalt  }
0x44: {  	_ =	shalt  }
0x45: {  	_ =	shalt  }
0x46: {  	_ =	shalt  }
0x47: {  	_ =	shalt  }
0x48: {  	_ =	shalt  }
0x49: {  	_ =	shalt  }
0x4a: {  	_ =	shalt  }
0x4b: {  	_ =	shalt  }
0x4c: {  	_ =	shalt  }
0x4d: {  	_ =	shalt  }
0x4e: {  	_ =	shalt  }
0x4f: {  	_ =	shalt  }
0x50: {  	_ =	shalt  }
0x51: {  	_ =	shalt  }
0x52: {  	_ =	shalt  }
0x53: {  	_ =	shalt  }
0x54: {  	_ =	shalt  }
0x55: {  	_ =	shalt  }
0x56: {  	_ =	shalt  }
0x57: {  	_ =	shalt  }
0x58: {  	_ =	shalt  }
0x59: {  	_ =	shalt  }
0x5a: {  	_ =	shalt  }
0x5b: {  	_ =	shalt  }
0x5c: {  	_ =	shalt  }
0x5d: {  	_ =	shalt  }
0x5e: {  	_ =	shalt  }
0x5f: {  	_ =	shalt  }
0x60: {  	_ =	shalt  }
0x61: {  	_ =	shalt  }
0x62: {  	_ =	shalt  }
0x63: {  	_ =	shalt  }
0x64: {  	_ =	shalt  }
0x65: {  	_ =	shalt  }
0x66: {  	_ =	shalt  }
0x67: {  	_ =	shalt  }
0x68: {  	_ =	shalt  }
0x69: {  	_ =	shalt  }
0x6a: {  	_ =	shalt  }
0x6b: {  	_ =	shalt  }
0x6c: {  	_ =	shalt  }
0x6d: {  	_ =	shalt  }
0x6e: {  	_ =	shalt  }
0x6f: {  	_ =	shalt  }
0x70: {  	_ =	shalt  }
0x71: {  	_ =	shalt  }
0x72: {  	_ =	shalt  }
0x73: {  	_ =	shalt  }
0x74: {  	_ =	shalt  }
0x75: {  	_ =	shalt  }
0x76: {  	_ =	shalt  }
0x77: {  	_ =	shalt  }
0x78: {  	_ =	shalt  }
0x79: {  	_ =	shalt  }
0x7a: {  	_ =	shalt  }
0x7b: {  	_ =	shalt  }
0x7c: {  	_ =	shalt  }
0x7d: {  	_ =	shalt  }
0x7e: {  	_ =	shalt  }
0x7f: {  	_ =	shalt  }
0x80: {  	_ =	shalt  }
0x81: {  	_ =	shalt  }
0x82: {  	_ =	shalt  }
0x83: {  	_ =	shalt  }
0x84: {  	_ =	shalt  }
0x85: {  	_ =	shalt  }
0x86: {  	_ =	shalt  }
0x87: {  	_ =	shalt  }
.Lfunc_end0:
.L_simem_size_0:
called_computation_lowered:
.L_overlay_start_0:
0x88: {  	s2 =	sld [smem:$0x3FD9]  }
0x89: {  	s3 =	sld [smem:$0x3FFE];
	_ =	sdelay $0x1  }
0x8a: {  	s1 =	srdreg.scid  }
0x8b: {  	s0 =	sand.u32 $0x1, s1  }
0x8c: {  	s17 =	sshll.u32 s0, $0xA;
	s2 =	sadd.s32 s3, s2  }
0x8d: {  	s2 =	sadd.s32 s2, s17  }
0x8e: {  	[smem:$0x3FBD] =	sst s2  }
0x8f: {  	_ = 	snop  }
0x90: {  	s2 =	sld [smem:$0x3FC9]  }
0x91: {  	s18 =	sld [smem:$0x3FC6];
	(tm) =	ssettm $0x1  }
0x92: {  	s4 =	sld [smem:$0x3FFB];
	_ =	sdelay $0x3  }
0x93: {  	_ =	strace s4  }
0x94: {  	s4 =	sld [smem:$0x3FFC];
	_ =	sdelay $0x3  }
0x95: {  	_ =	strace s4  }
0x96: {  	s4 =	sld [smem:$0x3FFD];
	_ =	sdelay $0x3  }
0x97: {  	_ =	strace s4  }
0x98: {  	_ =	strace $0x8FFFFFFF  }
0x99: {  	s19 =	sld [smem:$0x3FDB];
	_ =	sdelay $0x1  }
0x9a: {  	s5 =	simm.s32 $_scs_section_size  }
0x9b: {  	s6 =	simm.s32 $_size__tile_overlayer_lowered;
	s7 =	simm.s32 $_tile_overlayer_lowered  }
0x9c: {  	s22 =	simm.s32 $0x1BFF;
	s21 =	sshll.u32 s7, $0x1;
	s4 =	sadd.s32 s5, s19  }
0x9d: {  	s8 =	simm.s32 $0x0;
	s20 =	sshll.u32 s6, $0x1;
	s6 =	sadd.s32 s21, s4  }
0x9e: {  	[timem:s8], [sflag:s22] =	dma.local [hbm:s6], s20  }
0x9f: {  	_ =	swait.ge [sflag:s22], s20  }
0xa0: {  	s5 =	ssub.s32 $0x0, s20;
	[sflag:s22] =	ssyncset.done $0x0  }
0xa1: {  	[sflag:s22] =	ssyncadd.s32 s5;
	_ =	sdelay $0x1  }
0xa2: {  	s23 =	simm.s32 $0x1B8B  }
0xa3: {  	_ =	swait.ge [sflag:s23], $0x1  }
0xa4: {  	[sflag:s23] =	ssyncset.done $0x0  }
0xa5: {  	s25 =	simm.s32 $0x1B8E;
	s24 =	sld [smem:$0x3FFE];
	[sflag:s23] =	ssyncadd.s32 $0xFFFFFFFF  }
0xa6: {  	s26 =	simm.s32 $execute0_lowered;
	[smem:$0x3FD2] =	sst s25  }
0xa7: {  	s6 =	sshll.u32 s26, $0x1;
	_ =	strace $0x80000046;
	[dreg:$0x1] =	wrdreg $0xFFFFFFFF  }
0xa8: {  	s28 =	simm.s32 $_size_execute0_lowered;
	s4 =	sadd.s32 s4, s6;
	[dreg:$0x0] =	wrdreg $0x0  }
0xa9: {  	s6 =	sshll.u32 s28, $0x1;
	[dreg:$0x2] =	wrdreg s4  }
0xaa: {  	[dreg:$0x3] =	wrdreg s6  }
0xab: {  	[dreg:$0x4] =	wrdreg $0xC0  }
0xac: {  	_ =	task [dreg:s8], $0x5FFFF  }
0xad: {  	[dreg:$0x1] =	wrdreg $0xFFFFFFFF  }
0xae: {  	[dreg:$0x0] =	wrdreg $0x60  }
0xaf: {  	[dreg:$0x2] =	wrdreg s18  }
0xb0: {  	[dreg:$0x3] =	wrdreg s2  }
0xb1: {  	[dreg:$0x4] =	wrdreg s24  }
0xb2: {  	[dreg:$0x5] =	wrdreg $0x9  }
0xb3: {  	_ =	task.clear_ibuf [dreg:s8], $0x6FFFF;
	_ =	strace $0x90000046  }
0xb4: {  	s29 =	simm.s32 $0x9;
	_ =	strace $0x80000048  }
0xb5: {  	_ =	swait.ge [sflag:s29], $0x1  }
0xb6: {  	[sflag:s29] =	ssyncadd.s32 $0xFFFFFFFF  }
0xb7: {  	_ =	strace $0x90000048  }
0xb8: {  	_ =	sfence  }
0xb9: {  	s30 =	sld [smem:$0x0];
	_ =	sdelay $0x2  }
0xba: {  	s31 =	sshll.u32 s1, $0xD;
	s1 =	sshrl.u32 s1, $0x2  }
0xbb: {  	s3 =	sand.u32 $0x4000, s31;
	s1 =	sadd.s32 s1, s30  }
0xbc: {  	s0 =	sor.u32 s3, s0;
	s1 =	sshll.u32 s1, $0x11  }
0xbd: {  	s0 =	sor.u32 s1, s0  }
0xbe: {  	s0 =	sadd.s32 $0x8F2B, s0  }
0xbf: {  	[sflag:s0] =	ssyncadd.remote.s32 $0x1  }
0xc0: {  	_ =	sfence.sel $0xFFFF  }
0xc1: {  	[dreg:$0x0] =	wrdreg $0xFFFFFFFF;
	(pc) =	sbr.abs _section_cstart, $3  }
0xc2: {  	[dreg:$0x1] =	wrdreg $0xFFFFFFFF  }
0xc3: {  	_ =	task.clear_ibuf [dreg:s8], $0x2FFFF;
	_ =	strace $0x9FFFFFFF  }
0xc4: {  	(tm) =	ssettm $0x7FFFFFFF  }
0xc5: {  	_ =	shalt  }
tec
execute0_lowered:
.L_overlay_start_1:
0x0: {  	(tag) =	ssettag $0x1  }
0x1: {  	s0 =	srdreg.scid;
	s2 =	rddreg [dreg:$0x0]  }
0x2: {  	s16 =	stileid.u32;
	s12 =	rddreg [dreg:$0x1]  }
0x3: {  	s6 =	rddreg [dreg:$0x2];
	s31 =	simm.s32 $0xD;
	s11 =	simm.s32 $0x1  }
0x4: {  	s28 =	simm.s32 $0x3;
	p0 =	por $0x0, $0x0;
	s0 =	sand.u32 $0x1, s0  }
0x5: {  	s1 =	sshll.u32 s16, $0xA;
	s4 =	sshll.u32 s16, $0xB;
	s3 =	sshll.u32 s0, $0x9  }
0x6: {  	s4 =	sand.u32 $0x6000, s4;
	s0 =	ssub.s32 $0x2, s0;
	s1 =	sor.u32 s3, s1  }
0x7: {  	s3 =	sadd.s32 $0x10, s12;
	s26 =	sshrl.u32 s0, $0x1;
	s5 =	sshll.u32 s1, $0x1  }
0x8: {  	s1 =	sshll.u32 s1, $0x5;
	s0 =	ssub.s32 s0, s26;
	s26 =	simm.s32 $0x8400  }
0x9: {  	s7 =	sand.u32 $0x1C00, s5;
	s5 =	simm.s32 $0x0;
	s1 =	sadd.s32 s1, s6  }
0xa: {  	s0 =	smax.u32 s0, $0x1;
	[smem:$0x7FF] =	sst s5;
	s20 =	sadd.s32 $0x1600, s1  }
0xb: {  	s21 =	sadd.s32 $0x2600, s1;
	_ =	strace $0x80000047;
	[dreg:$0xc] =	wrdreg s20  }
0xc: {  	s6 =	simm.s32 $0x400;
	s22 =	sadd.s32 $0x3600, s1;
	[dreg:$0xd] =	wrdreg s21  }
0xd: {  	s4 =	sor.u32 s4, s7;
	s23 =	sadd.s32 $0x4600, s1;
	[dreg:$0xe] =	wrdreg s22  }
0xe: {  	s24 =	sadd.s32 $0x1680, s1;
	s25 =	sadd.s32 $0x2680, s1;
	[dreg:$0xf] =	wrdreg s23  }
0xf: {  	s29 =	sadd.s32 $0x3680, s1;
	s1 =	sadd.s32 $0x4680, s1;
	[dreg:$0x10] =	wrdreg s24  }
0x10: {  	s7 =	simm.s32 $0x4400;
	p1 =	sne.s32 s0, $0x1;
	[dreg:$0x11] =	wrdreg s25  }
0x11: {  	s30 =	sadd.s32 $0xFFFFFFFF, s0;
	s4 =	sshrl.u32 s4, $0x3;
	[dreg:$0x12] =	wrdreg s29  }
0x12: {  	[dreg:$0x13] =	wrdreg s1;
	s25 =	simm.s32 $0x4;
	s22 =	simm.s32 $0x5  }
0x13: {  	s13 =	sadd.s32 s12, s4;
	s8 =	sor.u32 $0x20, s4;
	s9 =	sor.u32 $0x40, s4  }
0x14: {  	s10 =	sor.u32 $0x60, s4;
	s4 =	sadd.s32 s4, s3;
	[dreg:$0x4] =	wrdreg s13  }
0x15: {  	s21 =	simm.s32 $0x6;
	s14 =	sadd.s32 s12, s8;
	[dreg:$0x8] =	wrdreg s4  }
0x16: {  	s15 =	sadd.s32 s12, s9;
	s17 =	sadd.s32 s12, s10;
	[dreg:$0x5] =	wrdreg s14  }
0x17: {  	s18 =	sadd.s32 s8, s3;
	s19 =	sadd.s32 s9, s3;
	[dreg:$0x6] =	wrdreg s15  }
0x18: {  	s3 =	sadd.s32 s10, s3;
	s13 =	simm.s32 $0x80;
	[dreg:$0x7] =	wrdreg s17  }
.Ltmp0:
0x19: {  	s8 =	simm.s32 $0x800;
	[dreg:$0x9] =	wrdreg s18;
	(pc) =	sbr.rel @!p1 .LBB2_5-.Ltmp0, $4  }
0x1a: {  	s9 =	simm.s32 $0x2;
	s4 =	simm.s32 $0x7;
	[dreg:$0xa] =	wrdreg s19  }
0x1b: {  	s12 =	simm.s32 $0xB;
	s10 =	simm.s32 $0xC;
	[dreg:$0xb] =	wrdreg s3  }
0x1c: {  	s19 =	simm.s32 $0x10400;
	s18 =	simm.s32 $0x14400;
	s3 =	simm.s32 $0x8  }
0x1d: {  	s15 =	simm.s32 $0x9;
	s14 =	simm.s32 $0xA;
	s0 =	rddreg [dreg:$0x4]  }
0x1e: {  	[tilespmem:s5], [sflag:$0xD] =	stream.linear.gather [hbm4b:s0+s5], $0x80, $0x38;
	[tilespmem:$0x18400] =	vst v63  }
0x1f: {  	s1 =	rddreg [dreg:$0x5]  }
0x20: {  	[tilespmem:s13], [sflag:$0xD] =	stream.linear.gather [hbm4b:s1+s5], $0x80, $0x38;
	[tilespmem:$0x18400] =	vst v63  }
0x21: {  	s23 =	rddreg [dreg:$0x6];
	s29 =	simm.s32 $0x100  }
0x22: {  	[tilespmem:s29], [sflag:$0xD] =	stream.linear.gather [hbm4b:s23+s5], $0x80, $0x38;
	[tilespmem:$0x18400] =	vst v63  }
0x23: {  	s24 =	rddreg [dreg:$0x7];
	s23 =	simm.s32 $0x180  }
0x24: {  	[tilespmem:s23], [sflag:$0xD] =	stream.linear.gather [hbm4b:s24+s5], $0x80, $0x38;
	[tilespmem:$0x18400] =	vst v63  }
0x25: {  	s16 =	rddreg [dreg:$0x8];
	s17 =	simm.s32 $0x200  }
0x26: {  	[tilespmem:s17], [sflag:$0xD] =	stream.linear.gather [hbm4b:s16+s5], $0x80, $0x38;
	[tilespmem:$0x18400] =	vst v63  }
0x27: {  	s20 =	rddreg [dreg:$0x9];
	s24 =	simm.s32 $0x280  }
0x28: {  	[tilespmem:s24], [sflag:$0xD] =	stream.linear.gather [hbm4b:s20+s5], $0x80, $0x38;
	[tilespmem:$0x18400] =	vst v63  }
0x29: {  	s16 =	rddreg [dreg:$0xa];
	s20 =	simm.s32 $0x300  }
0x2a: {  	[tilespmem:s20], [sflag:$0xD] =	stream.linear.gather [hbm4b:s16+s5], $0x80, $0x38;
	[tilespmem:$0x18400] =	vst v63  }
0x2b: {  	s1 =	rddreg [dreg:$0xb];
	s16 =	simm.s32 $0x380  }
0x2c: {  	[tilespmem:s16], [sflag:$0xD] =	stream.linear.gather [hbm4b:s1+s5], $0x80, $0x38;
	[tilespmem:$0x18400] =	vst v63  }
0x2d: {  	_ =	swait.ge [sflag:s31], $0x80  }
0x2e: {  	[sflag:s31] =	ssyncset.done $0x0  }
0x2f: {  	[sflag:s31] =	ssyncadd.s32 $0xFFFFFF80  }
0x30: {  	_ =	swait.ge [sflag:s31], $0x80  }
0x31: {  	[sflag:s31] =	ssyncset.done $0x0  }
0x32: {  	[sflag:s31] =	ssyncadd.s32 $0xFFFFFF80  }
0x33: {  	_ =	swait.ge [sflag:s31], $0x80  }
0x34: {  	[sflag:s31] =	ssyncset.done $0x0  }
0x35: {  	[sflag:s31] =	ssyncadd.s32 $0xFFFFFF80  }
0x36: {  	_ =	swait.ge [sflag:s31], $0x80  }
0x37: {  	[sflag:s31] =	ssyncset.done $0x0  }
0x38: {  	[sflag:s31] =	ssyncadd.s32 $0xFFFFFF80  }
0x39: {  	_ =	swait.ge [sflag:s31], $0x80  }
0x3a: {  	[sflag:s31] =	ssyncset.done $0x0  }
0x3b: {  	[sflag:s31] =	ssyncadd.s32 $0xFFFFFF80  }
0x3c: {  	_ =	swait.ge [sflag:s31], $0x80  }
0x3d: {  	[sflag:s31] =	ssyncset.done $0x0  }
0x3e: {  	[sflag:s31] =	ssyncadd.s32 $0xFFFFFF80  }
0x3f: {  	_ =	swait.ge [sflag:s31], $0x80  }
0x40: {  	[sflag:s31] =	ssyncset.done $0x0  }
0x41: {  	[sflag:s31] =	ssyncadd.s32 $0xFFFFFF80  }
0x42: {  	_ =	swait.ge [sflag:s31], $0x80  }
0x43: {  	[sflag:s31] =	ssyncset.done $0x0  }
0x44: {  	[sflag:s31] =	ssyncadd.s32 $0xFFFFFF80  }
0x45: {  	[tilespmem:s6], [sflag:$0x1] =	stream.indirect.gather [hbm4b:s2+s13], $0x80, s5, s13, $0xb8;
	[tilespmem:$0x18400] =	vst v63  }
0x46: {  	_ = 	snop  }
0x47: {  	[tilespmem:s7], [sflag:$0x2] =	stream.indirect.gather [hbm4b:s2+s13], $0x80, s13, s13, $0xb8;
	[tilespmem:$0x18400] =	vst v63  }
0x48: {  	_ = 	snop  }
0x49: {  	[tilespmem:s26], [sflag:$0x3] =	stream.indirect.gather [hbm4b:s2+s13], $0x80, s29, s13, $0xb8;
	[tilespmem:$0x18400] =	vst v63  }
0x4a: {  	s1 =	simm.s32 $0xC400  }
0x4b: {  	[tilespmem:s1], [sflag:$0x4] =	stream.indirect.gather [hbm4b:s2+s13], $0x80, s23, s13, $0xb8;
	[tilespmem:$0x18400] =	vst v63  }
0x4c: {  	_ =	swait.ge [sflag:s11], $0x4000  }
0x4d: {  	[sflag:s11] =	ssyncset.done $0x0  }
0x4e: {  	s29 =	rddreg [dreg:$0xc];
	[sflag:s11] =	ssyncadd.s32 $0xFFFFC000  }
0x4f: {  	[hbm4b:s29+s6] =	stream.strided.scatter [tilespmem:s6], [sflag:$0x7], $0x4000, s8, s6, $0x38;
	[tilespmem:$0x18400] =	vst v63  }
0x50: {  	_ = 	snop  }
0x51: {  	[tilespmem:s19], [sflag:$0x5] =	stream.indirect.gather [hbm4b:s2+s13], $0x80, s17, s13, $0xb8;
	[tilespmem:$0x18400] =	vst v63  }
0x52: {  	_ =	swait.ge [sflag:s9], $0x4000  }
0x53: {  	[sflag:s9] =	ssyncset.done $0x0  }
0x54: {  	s23 =	rddreg [dreg:$0xd];
	[sflag:s9] =	ssyncadd.s32 $0xFFFFC000  }
0x55: {  	[hbm4b:s23+s6] =	stream.strided.scatter [tilespmem:s7], [sflag:$0x8], $0x4000, s8, s6, $0x38;
	[tilespmem:$0x18400] =	vst v63  }
0x56: {  	_ = 	snop  }
0x57: {  	[tilespmem:s18], [sflag:$0x6] =	stream.indirect.gather [hbm4b:s2+s13], $0x80, s24, s13, $0xb8;
	[tilespmem:$0x18400] =	vst v63  }
0x58: {  	_ =	swait.ge [sflag:s28], $0x4000  }
0x59: {  	[sflag:s28] =	ssyncset.done $0x0  }
0x5a: {  	s29 =	rddreg [dreg:$0xe];
	[sflag:s28] =	ssyncadd.s32 $0xFFFFC000  }
0x5b: {  	[hbm4b:s29+s6] =	stream.strided.scatter [tilespmem:s26], [sflag:$0x9], $0x4000, s8, s6, $0x38;
	[tilespmem:$0x18400] =	vst v63  }
0x5c: {  	_ =	swait.ge [sflag:s4], $0x4000  }
0x5d: {  	[sflag:s4] =	ssyncset.done $0x0  }
0x5e: {  	[sflag:s4] =	ssyncadd.s32 $0xFFFFC000  }
0x5f: {  	[tilespmem:s6], [sflag:$0x1] =	stream.indirect.gather [hbm4b:s2+s13], $0x80, s20, s13, $0xb8;
	[tilespmem:$0x18400] =	vst v63  }
0x60: {  	_ =	swait.ge [sflag:s25], $0x4000  }
0x61: {  	[sflag:s25] =	ssyncset.done $0x0  }
0x62: {  	s17 =	rddreg [dreg:$0xf];
	[sflag:s25] =	ssyncadd.s32 $0xFFFFC000  }
0x63: {  	[hbm4b:s17+s6] =	stream.strided.scatter [tilespmem:s1], [sflag:$0xA], $0x4000, s8, s6, $0x38;
	[tilespmem:$0x18400] =	vst v63  }
0x64: {  	_ =	swait.ge [sflag:s3], $0x4000  }
0x65: {  	[sflag:s3] =	ssyncset.done $0x0  }
0x66: {  	[sflag:s3] =	ssyncadd.s32 $0xFFFFC000  }
0x67: {  	[tilespmem:s7], [sflag:$0x2] =	stream.indirect.gather [hbm4b:s2+s13], $0x80, s16, s13, $0xb8;
	[tilespmem:$0x18400] =	vst v63  }
0x68: {  	_ =	swait.ge [sflag:s22], $0x4000  }
0x69: {  	[sflag:s22] =	ssyncset.done $0x0  }
0x6a: {  	s20 =	rddreg [dreg:$0x10];
	[sflag:s22] =	ssyncadd.s32 $0xFFFFC000  }
0x6b: {  	[hbm4b:s20+s6] =	stream.strided.scatter [tilespmem:s19], [sflag:$0xB], $0x4000, s8, s6, $0x38;
	[tilespmem:$0x18400] =	vst v63  }
0x6c: {  	_ =	swait.ge [sflag:s21], $0x4000  }
0x6d: {  	[sflag:s21] =	ssyncset.done $0x0  }
0x6e: {  	s23 =	rddreg [dreg:$0x11];
	[sflag:s21] =	ssyncadd.s32 $0xFFFFC000  }
0x6f: {  	[hbm4b:s23+s6] =	stream.strided.scatter [tilespmem:s18], [sflag:$0xC], $0x4000, s8, s6, $0x38;
	[tilespmem:$0x18400] =	vst v63  }
0x70: {  	_ =	swait.ge [sflag:s11], $0x4000  }
0x71: {  	[sflag:s11] =	ssyncset.done $0x0  }
0x72: {  	s24 =	rddreg [dreg:$0x12];
	[sflag:s11] =	ssyncadd.s32 $0xFFFFC000  }
0x73: {  	[hbm4b:s24+s6] =	stream.strided.scatter [tilespmem:s6], [sflag:$0x7], $0x4000, s8, s6, $0x38;
	[tilespmem:$0x18400] =	vst v63  }
0x74: {  	_ =	swait.ge [sflag:s9], $0x4000  }
0x75: {  	[sflag:s9] =	ssyncset.done $0x0  }
0x76: {  	s29 =	rddreg [dreg:$0x13];
	[sflag:s9] =	ssyncadd.s32 $0xFFFFC000  }
0x77: {  	[hbm4b:s29+s6] =	stream.strided.scatter [tilespmem:s7], [sflag:$0x8], $0x4000, s8, s6, $0x38;
	[tilespmem:$0x18400] =	vst v63  }
0x78: {  	_ =	swait.ge [sflag:s15], $0x4000  }
0x79: {  	[sflag:s15] =	ssyncset.done $0x0  }
0x7a: {  	[sflag:s15] =	ssyncadd.s32 $0xFFFFC000  }
0x7b: {  	_ =	swait.ge [sflag:s14], $0x4000  }
0x7c: {  	[sflag:s14] =	ssyncset.done $0x0  }
0x7d: {  	[sflag:s14] =	ssyncadd.s32 $0xFFFFC000  }
0x7e: {  	_ =	swait.ge [sflag:s12], $0x4000  }
0x7f: {  	[sflag:s12] =	ssyncset.done $0x0  }
0x80: {  	[sflag:s12] =	ssyncadd.s32 $0xFFFFC000  }
0x81: {  	_ =	swait.ge [sflag:s10], $0x4000  }
0x82: {  	[sflag:s10] =	ssyncset.done $0x0  }
0x83: {  	p1 =	sne.s32 s30, $0x1;
	[sflag:s10] =	ssyncadd.s32 $0xFFFFC000  }
.Ltmp1:
0x84: {  	_ =	swait.ge [sflag:s4], $0x4000;
	(pc) =	sbr.rel @!p1 .LBB2_6-.Ltmp1, $4  }
0x85: {  	[sflag:s4] =	ssyncset.done $0x0  }
0x86: {  	[sflag:s4] =	ssyncadd.s32 $0xFFFFC000  }
0x87: {  	p0 =	por $0x1, $0x1;
	_ =	swait.ge [sflag:s3], $0x4000  }
0x88: {  	s1 =	sadd.s32 $0xFFFFFFFF, s30;
	s0 =	rddreg [dreg:$0x4];
	[sflag:s3] =	ssyncset.done $0x0  }
0x89: {  	s29 =	simm.s32 $0x100;
	s23 =	simm.s32 $0x180;
	s17 =	simm.s32 $0x200  }
0x8a: {  	s30 =	simm.s32 $0x280;
	s24 =	simm.s32 $0x300;
	s20 =	simm.s32 $0x380  }
.LBB2_3:
0x8b: {  	[sflag:s3] =	ssyncadd.s32 $0xFFFFC000  }
0x8c: {  	[tilespmem:s5], [sflag:$0xD] =	stream.linear.gather [hbm4b:s0+s5], $0x80, $0x38;
	[tilespmem:$0x18400] =	vst v63  }
0x8d: {  	s16 =	rddreg [dreg:$0x5]  }
0x8e: {  	[tilespmem:s13], [sflag:$0xD] =	stream.linear.gather [hbm4b:s16+s5], $0x80, $0x38;
	[tilespmem:$0x18400] =	vst v63  }
0x8f: {  	s0 =	rddreg [dreg:$0x6]  }
0x90: {  	[tilespmem:s29], [sflag:$0xD] =	stream.linear.gather [hbm4b:s0+s5], $0x80, $0x38;
	[tilespmem:$0x18400] =	vst v63  }
0x91: {  	s16 =	rddreg [dreg:$0x7]  }
0x92: {  	[tilespmem:s23], [sflag:$0xD] =	stream.linear.gather [hbm4b:s16+s5], $0x80, $0x38;
	[tilespmem:$0x18400] =	vst v63  }
0x93: {  	s0 =	rddreg [dreg:$0x8]  }
0x94: {  	[tilespmem:s17], [sflag:$0xD] =	stream.linear.gather [hbm4b:s0+s5], $0x80, $0x38;
	[tilespmem:$0x18400] =	vst v63  }
0x95: {  	s16 =	rddreg [dreg:$0x9]  }
0x96: {  	[tilespmem:s30], [sflag:$0xD] =	stream.linear.gather [hbm4b:s16+s5], $0x80, $0x38;
	[tilespmem:$0x18400] =	vst v63  }
0x97: {  	s0 =	rddreg [dreg:$0xa]  }
0x98: {  	[tilespmem:s24], [sflag:$0xD] =	stream.linear.gather [hbm4b:s0+s5], $0x80, $0x38;
	[tilespmem:$0x18400] =	vst v63  }
0x99: {  	s16 =	rddreg [dreg:$0xb]  }
0x9a: {  	[tilespmem:s20], [sflag:$0xD] =	stream.linear.gather [hbm4b:s16+s5], $0x80, $0x38;
	[tilespmem:$0x18400] =	vst v63  }
0x9b: {  	_ =	swait.ge [sflag:s31], $0x80  }
0x9c: {  	[sflag:s31] =	ssyncset.done $0x0  }
0x9d: {  	[sflag:s31] =	ssyncadd.s32 $0xFFFFFF80  }
0x9e: {  	_ =	swait.ge [sflag:s31], $0x80  }
0x9f: {  	[sflag:s31] =	ssyncset.done $0x0  }
0xa0: {  	[sflag:s31] =	ssyncadd.s32 $0xFFFFFF80  }
0xa1: {  	_ =	swait.ge [sflag:s31], $0x80  }
0xa2: {  	[sflag:s31] =	ssyncset.done $0x0  }
0xa3: {  	[sflag:s31] =	ssyncadd.s32 $0xFFFFFF80  }
0xa4: {  	_ =	swait.ge [sflag:s31], $0x80  }
0xa5: {  	[sflag:s31] =	ssyncset.done $0x0  }
0xa6: {  	[sflag:s31] =	ssyncadd.s32 $0xFFFFFF80  }
0xa7: {  	_ =	swait.ge [sflag:s31], $0x80  }
0xa8: {  	[sflag:s31] =	ssyncset.done $0x0  }
0xa9: {  	[sflag:s31] =	ssyncadd.s32 $0xFFFFFF80  }
0xaa: {  	_ =	swait.ge [sflag:s31], $0x80  }
0xab: {  	[sflag:s31] =	ssyncset.done $0x0  }
0xac: {  	[sflag:s31] =	ssyncadd.s32 $0xFFFFFF80  }
0xad: {  	_ =	swait.ge [sflag:s31], $0x80  }
0xae: {  	[sflag:s31] =	ssyncset.done $0x0  }
0xaf: {  	[sflag:s31] =	ssyncadd.s32 $0xFFFFFF80  }
0xb0: {  	_ =	swait.ge [sflag:s31], $0x80  }
0xb1: {  	[sflag:s31] =	ssyncset.done $0x0  }
0xb2: {  	[sflag:s31] =	ssyncadd.s32 $0xFFFFFF80  }
0xb3: {  	[tilespmem:s6], [sflag:$0x1] =	stream.indirect.gather [hbm4b:s2+s13], $0x80, s5, s13, $0xb8;
	[tilespmem:$0x18400] =	vst v63  }
0xb4: {  	_ = 	snop  }
0xb5: {  	[tilespmem:s7], [sflag:$0x2] =	stream.indirect.gather [hbm4b:s2+s13], $0x80, s13, s13, $0xb8;
	[tilespmem:$0x18400] =	vst v63  }
0xb6: {  	_ = 	snop  }
0xb7: {  	[tilespmem:s26], [sflag:$0x3] =	stream.indirect.gather [hbm4b:s2+s13], $0x80, s29, s13, $0xb8;
	[tilespmem:$0x18400] =	vst v63  }
0xb8: {  	s16 =	simm.s32 $0xC400  }
0xb9: {  	[tilespmem:s16], [sflag:$0x4] =	stream.indirect.gather [hbm4b:s2+s13], $0x80, s23, s13, $0xb8;
	[tilespmem:$0x18400] =	vst v63  }
0xba: {  	_ =	swait.ge [sflag:s11], $0x4000  }
0xbb: {  	[sflag:s11] =	ssyncset.done $0x0  }
0xbc: {  	s0 =	rddreg [dreg:$0xc];
	[sflag:s11] =	ssyncadd.s32 $0xFFFFC000  }
0xbd: {  	[hbm4b:s0+s6] =	stream.strided.scatter [tilespmem:s6], [sflag:$0x7], $0x4000, s8, s6, $0x38;
	[tilespmem:$0x18400] =	vst v63  }
0xbe: {  	_ = 	snop  }
0xbf: {  	[tilespmem:s19], [sflag:$0x5] =	stream.indirect.gather [hbm4b:s2+s13], $0x80, s17, s13, $0xb8;
	[tilespmem:$0x18400] =	vst v63  }
0xc0: {  	_ =	swait.ge [sflag:s9], $0x4000  }
0xc1: {  	[sflag:s9] =	ssyncset.done $0x0  }
0xc2: {  	s0 =	rddreg [dreg:$0xd];
	[sflag:s9] =	ssyncadd.s32 $0xFFFFC000  }
0xc3: {  	[hbm4b:s0+s6] =	stream.strided.scatter [tilespmem:s7], [sflag:$0x8], $0x4000, s8, s6, $0x38;
	[tilespmem:$0x18400] =	vst v63  }
0xc4: {  	_ = 	snop  }
0xc5: {  	[tilespmem:s18], [sflag:$0x6] =	stream.indirect.gather [hbm4b:s2+s13], $0x80, s30, s13, $0xb8;
	[tilespmem:$0x18400] =	vst v63  }
0xc6: {  	_ =	swait.ge [sflag:s28], $0x4000  }
0xc7: {  	[sflag:s28] =	ssyncset.done $0x0  }
0xc8: {  	s0 =	rddreg [dreg:$0xe];
	[sflag:s28] =	ssyncadd.s32 $0xFFFFC000  }
0xc9: {  	[hbm4b:s0+s6] =	stream.strided.scatter [tilespmem:s26], [sflag:$0x9], $0x4000, s8, s6, $0x38;
	[tilespmem:$0x18400] =	vst v63  }
0xca: {  	_ =	swait.ge [sflag:s4], $0x4000  }
0xcb: {  	[sflag:s4] =	ssyncset.done $0x0  }
0xcc: {  	[sflag:s4] =	ssyncadd.s32 $0xFFFFC000  }
0xcd: {  	[tilespmem:s6], [sflag:$0x1] =	stream.indirect.gather [hbm4b:s2+s13], $0x80, s24, s13, $0xb8;
	[tilespmem:$0x18400] =	vst v63  }
0xce: {  	_ =	swait.ge [sflag:s25], $0x4000  }
0xcf: {  	[sflag:s25] =	ssyncset.done $0x0  }
0xd0: {  	s0 =	rddreg [dreg:$0xf];
	[sflag:s25] =	ssyncadd.s32 $0xFFFFC000  }
0xd1: {  	[hbm4b:s0+s6] =	stream.strided.scatter [tilespmem:s16], [sflag:$0xA], $0x4000, s8, s6, $0x38;
	[tilespmem:$0x18400] =	vst v63  }
0xd2: {  	_ =	swait.ge [sflag:s3], $0x4000  }
0xd3: {  	[sflag:s3] =	ssyncset.done $0x0  }
0xd4: {  	[sflag:s3] =	ssyncadd.s32 $0xFFFFC000  }
0xd5: {  	[tilespmem:s7], [sflag:$0x2] =	stream.indirect.gather [hbm4b:s2+s13], $0x80, s20, s13, $0xb8;
	[tilespmem:$0x18400] =	vst v63  }
0xd6: {  	_ =	swait.ge [sflag:s22], $0x4000  }
0xd7: {  	[sflag:s22] =	ssyncset.done $0x0  }
0xd8: {  	s16 =	rddreg [dreg:$0x10];
	[sflag:s22] =	ssyncadd.s32 $0xFFFFC000  }
0xd9: {  	[hbm4b:s16+s6] =	stream.strided.scatter [tilespmem:s19], [sflag:$0xB], $0x4000, s8, s6, $0x38;
	[tilespmem:$0x18400] =	vst v63  }
0xda: {  	_ =	swait.ge [sflag:s21], $0x4000  }
0xdb: {  	[sflag:s21] =	ssyncset.done $0x0  }
0xdc: {  	s16 =	rddreg [dreg:$0x11];
	[sflag:s21] =	ssyncadd.s32 $0xFFFFC000  }
0xdd: {  	[hbm4b:s16+s6] =	stream.strided.scatter [tilespmem:s18], [sflag:$0xC], $0x4000, s8, s6, $0x38;
	[tilespmem:$0x18400] =	vst v63  }
0xde: {  	_ =	swait.ge [sflag:s11], $0x4000  }
0xdf: {  	[sflag:s11] =	ssyncset.done $0x0  }
0xe0: {  	s16 =	rddreg [dreg:$0x12];
	[sflag:s11] =	ssyncadd.s32 $0xFFFFC000  }
0xe1: {  	[hbm4b:s16+s6] =	stream.strided.scatter [tilespmem:s6], [sflag:$0x7], $0x4000, s8, s6, $0x38;
	[tilespmem:$0x18400] =	vst v63  }
0xe2: {  	_ =	swait.ge [sflag:s9], $0x4000  }
0xe3: {  	[sflag:s9] =	ssyncset.done $0x0  }
0xe4: {  	s16 =	rddreg [dreg:$0x13];
	[sflag:s9] =	ssyncadd.s32 $0xFFFFC000  }
0xe5: {  	[hbm4b:s16+s6] =	stream.strided.scatter [tilespmem:s7], [sflag:$0x8], $0x4000, s8, s6, $0x38;
	[tilespmem:$0x18400] =	vst v63  }
0xe6: {  	_ =	swait.ge [sflag:s15], $0x4000  }
0xe7: {  	[sflag:s15] =	ssyncset.done $0x0  }
0xe8: {  	[sflag:s15] =	ssyncadd.s32 $0xFFFFC000  }
0xe9: {  	_ =	swait.ge [sflag:s14], $0x4000  }
0xea: {  	[sflag:s14] =	ssyncset.done $0x0  }
0xeb: {  	[sflag:s14] =	ssyncadd.s32 $0xFFFFC000  }
0xec: {  	_ =	swait.ge [sflag:s12], $0x4000  }
0xed: {  	[sflag:s12] =	ssyncset.done $0x0  }
0xee: {  	[sflag:s12] =	ssyncadd.s32 $0xFFFFC000  }
0xef: {  	_ =	swait.ge [sflag:s10], $0x4000  }
0xf0: {  	[sflag:s10] =	ssyncset.done $0x0  }
0xf1: {  	p1 =	sne.s32 s1, $0x1;
	[sflag:s10] =	ssyncadd.s32 $0xFFFFC000  }
.Ltmp2:
0xf2: {  	_ =	swait.ge [sflag:s4], $0x4000;
	(pc) =	sbr.rel @p1 .LBB2_3-.Ltmp2, $4  }
0xf3: {  	[sflag:s4] =	ssyncset.done $0x0  }
0xf4: {  	[sflag:s4] =	ssyncadd.s32 $0xFFFFC000  }
0xf5: {  	_ =	swait.ge [sflag:s3], $0x4000  }
0xf6: {  	s1 =	sadd.s32 $0xFFFFFFFF, s1;
	s0 =	rddreg [dreg:$0x4];
	[sflag:s3] =	ssyncset.done $0x0  }
0xf7: {  	s16 =	stileid.u32  }
.LBB2_5:
0xf8: {  	[sflag:s3] =	ssyncadd.s32 @p0 $0xFFFFC000  }
0xf9: {  	[tilespmem:s5], [sflag:$0xD] =	stream.linear.gather [hbm4b:s0+s5], $0x80, $0x38;
	[tilespmem:$0x18400] =	vst v63  }
0xfa: {  	s1 =	rddreg [dreg:$0x5]  }
0xfb: {  	[tilespmem:s13], [sflag:$0xD] =	stream.linear.gather [hbm4b:s1+s5], $0x80, $0x38;
	[tilespmem:$0x18400] =	vst v63  }
0xfc: {  	s17 =	rddreg [dreg:$0x6];
	s19 =	simm.s32 $0x100  }
0xfd: {  	[tilespmem:s19], [sflag:$0xD] =	stream.linear.gather [hbm4b:s17+s5], $0x80, $0x38;
	[tilespmem:$0x18400] =	vst v63  }
0xfe: {  	s18 =	rddreg [dreg:$0x7];
	s26 =	simm.s32 $0x180  }
0xff: {  	[tilespmem:s26], [sflag:$0xD] =	stream.linear.gather [hbm4b:s18+s5], $0x80, $0x38;
	[tilespmem:$0x18400] =	vst v63  }
0x100: {  	s20 =	rddreg [dreg:$0x8];
	s24 =	simm.s32 $0x200  }
0x101: {  	[tilespmem:s24], [sflag:$0xD] =	stream.linear.gather [hbm4b:s20+s5], $0x80, $0x38;
	[tilespmem:$0x18400] =	vst v63  }
0x102: {  	s23 =	rddreg [dreg:$0x9];
	s20 =	simm.s32 $0x280  }
0x103: {  	[tilespmem:s20], [sflag:$0xD] =	stream.linear.gather [hbm4b:s23+s5], $0x80, $0x38;
	[tilespmem:$0x18400] =	vst v63  }
0x104: {  	s29 =	rddreg [dreg:$0xa];
	s18 =	simm.s32 $0x300  }
0x105: {  	[tilespmem:s18], [sflag:$0xD] =	stream.linear.gather [hbm4b:s29+s5], $0x80, $0x38;
	[tilespmem:$0x18400] =	vst v63  }
0x106: {  	s30 =	rddreg [dreg:$0xb];
	s17 =	simm.s32 $0x380  }
0x107: {  	[tilespmem:s17], [sflag:$0xD] =	stream.linear.gather [hbm4b:s30+s5], $0x80, $0x38;
	[tilespmem:$0x18400] =	vst v63  }
0x108: {  	_ =	swait.ge [sflag:s31], $0x80  }
0x109: {  	[sflag:s31] =	ssyncset.done $0x0  }
0x10a: {  	[sflag:s31] =	ssyncadd.s32 $0xFFFFFF80  }
0x10b: {  	_ =	swait.ge [sflag:s31], $0x80  }
0x10c: {  	[sflag:s31] =	ssyncset.done $0x0  }
0x10d: {  	[sflag:s31] =	ssyncadd.s32 $0xFFFFFF80  }
0x10e: {  	_ =	swait.ge [sflag:s31], $0x80  }
0x10f: {  	[sflag:s31] =	ssyncset.done $0x0  }
0x110: {  	[sflag:s31] =	ssyncadd.s32 $0xFFFFFF80  }
0x111: {  	_ =	swait.ge [sflag:s31], $0x80  }
0x112: {  	[sflag:s31] =	ssyncset.done $0x0  }
0x113: {  	[sflag:s31] =	ssyncadd.s32 $0xFFFFFF80  }
0x114: {  	_ =	swait.ge [sflag:s31], $0x80  }
0x115: {  	[sflag:s31] =	ssyncset.done $0x0  }
0x116: {  	[sflag:s31] =	ssyncadd.s32 $0xFFFFFF80  }
0x117: {  	_ =	swait.ge [sflag:s31], $0x80  }
0x118: {  	[sflag:s31] =	ssyncset.done $0x0  }
0x119: {  	[sflag:s31] =	ssyncadd.s32 $0xFFFFFF80  }
0x11a: {  	_ =	swait.ge [sflag:s31], $0x80  }
0x11b: {  	[sflag:s31] =	ssyncset.done $0x0  }
0x11c: {  	[sflag:s31] =	ssyncadd.s32 $0xFFFFFF80  }
0x11d: {  	_ =	swait.ge [sflag:s31], $0x80  }
0x11e: {  	[sflag:s31] =	ssyncset.done $0x0  }
0x11f: {  	[sflag:s31] =	ssyncadd.s32 $0xFFFFFF80  }
0x120: {  	[tilespmem:s6], [sflag:$0x1] =	stream.indirect.gather [hbm4b:s2+s13], $0x80, s5, s13, $0xb8;
	[tilespmem:$0x18400] =	vst v63  }
0x121: {  	_ = 	snop  }
0x122: {  	[tilespmem:s7], [sflag:$0x2] =	stream.indirect.gather [hbm4b:s2+s13], $0x80, s13, s13, $0xb8;
	[tilespmem:$0x18400] =	vst v63  }
0x123: {  	s23 =	simm.s32 $0x8400  }
0x124: {  	[tilespmem:s23], [sflag:$0x3] =	stream.indirect.gather [hbm4b:s2+s13], $0x80, s19, s13, $0xb8;
	[tilespmem:$0x18400] =	vst v63  }
0x125: {  	s5 =	simm.s32 $0xC400  }
0x126: {  	[tilespmem:s5], [sflag:$0x4] =	stream.indirect.gather [hbm4b:s2+s13], $0x80, s26, s13, $0xb8;
	[tilespmem:$0x18400] =	vst v63  }
0x127: {  	_ =	swait.ge [sflag:s11], $0x4000  }
0x128: {  	[sflag:s11] =	ssyncset.done $0x0  }
0x129: {  	s26 =	rddreg [dreg:$0xc];
	[sflag:s11] =	ssyncadd.s32 $0xFFFFC000  }
0x12a: {  	[hbm4b:s26+s6] =	stream.strided.scatter [tilespmem:s6], [sflag:$0x7], $0x4000, s8, s6, $0x38;
	[tilespmem:$0x18400] =	vst v63  }
0x12b: {  	s29 =	simm.s32 $0x10400  }
0x12c: {  	[tilespmem:s29], [sflag:$0x5] =	stream.indirect.gather [hbm4b:s2+s13], $0x80, s24, s13, $0xb8;
	[tilespmem:$0x18400] =	vst v63  }
0x12d: {  	_ =	swait.ge [sflag:s9], $0x4000  }
0x12e: {  	[sflag:s9] =	ssyncset.done $0x0  }
0x12f: {  	s30 =	rddreg [dreg:$0xd];
	[sflag:s9] =	ssyncadd.s32 $0xFFFFC000  }
0x130: {  	[hbm4b:s30+s6] =	stream.strided.scatter [tilespmem:s7], [sflag:$0x8], $0x4000, s8, s6, $0x38;
	[tilespmem:$0x18400] =	vst v63  }
0x131: {  	s31 =	simm.s32 $0x14400  }
0x132: {  	[tilespmem:s31], [sflag:$0x6] =	stream.indirect.gather [hbm4b:s2+s13], $0x80, s20, s13, $0xb8;
	[tilespmem:$0x18400] =	vst v63  }
0x133: {  	_ =	swait.ge [sflag:s28], $0x4000  }
0x134: {  	[sflag:s28] =	ssyncset.done $0x0  }
0x135: {  	s24 =	rddreg [dreg:$0xe];
	[sflag:s28] =	ssyncadd.s32 $0xFFFFC000  }
0x136: {  	[hbm4b:s24+s6] =	stream.strided.scatter [tilespmem:s23], [sflag:$0x9], $0x4000, s8, s6, $0x38;
	[tilespmem:$0x18400] =	vst v63  }
0x137: {  	_ =	swait.ge [sflag:s4], $0x4000  }
0x138: {  	[sflag:s4] =	ssyncset.done $0x0  }
0x139: {  	[sflag:s4] =	ssyncadd.s32 $0xFFFFC000  }
0x13a: {  	[tilespmem:s6], [sflag:$0x1] =	stream.indirect.gather [hbm4b:s2+s13], $0x80, s18, s13, $0xb8;
	[tilespmem:$0x18400] =	vst v63  }
0x13b: {  	_ =	swait.ge [sflag:s25], $0x4000  }
0x13c: {  	[sflag:s25] =	ssyncset.done $0x0  }
0x13d: {  	s26 =	rddreg [dreg:$0xf];
	[sflag:s25] =	ssyncadd.s32 $0xFFFFC000  }
0x13e: {  	[hbm4b:s26+s6] =	stream.strided.scatter [tilespmem:s5], [sflag:$0xA], $0x4000, s8, s6, $0x38;
	[tilespmem:$0x18400] =	vst v63  }
0x13f: {  	_ =	swait.ge [sflag:s3], $0x4000  }
0x140: {  	[sflag:s3] =	ssyncset.done $0x0  }
0x141: {  	[sflag:s3] =	ssyncadd.s32 $0xFFFFC000  }
0x142: {  	[tilespmem:s7], [sflag:$0x2] =	stream.indirect.gather [hbm4b:s2+s13], $0x80, s17, s13, $0xb8;
	[tilespmem:$0x18400] =	vst v63  }
0x143: {  	_ =	swait.ge [sflag:s22], $0x4000  }
0x144: {  	[sflag:s22] =	ssyncset.done $0x0  }
0x145: {  	s28 =	rddreg [dreg:$0x10];
	[sflag:s22] =	ssyncadd.s32 $0xFFFFC000  }
0x146: {  	[hbm4b:s28+s6] =	stream.strided.scatter [tilespmem:s29], [sflag:$0xB], $0x4000, s8, s6, $0x38;
	[tilespmem:$0x18400] =	vst v63  }
0x147: {  	_ =	swait.ge [sflag:s21], $0x4000  }
0x148: {  	[sflag:s21] =	ssyncset.done $0x0  }
0x149: {  	s29 =	rddreg [dreg:$0x11];
	[sflag:s21] =	ssyncadd.s32 $0xFFFFC000  }
0x14a: {  	[hbm4b:s29+s6] =	stream.strided.scatter [tilespmem:s31], [sflag:$0xC], $0x4000, s8, s6, $0x38;
	[tilespmem:$0x18400] =	vst v63  }
0x14b: {  	_ =	swait.ge [sflag:s11], $0x4000  }
0x14c: {  	[sflag:s11] =	ssyncset.done $0x0  }
0x14d: {  	s30 =	rddreg [dreg:$0x12];
	[sflag:s11] =	ssyncadd.s32 $0xFFFFC000  }
0x14e: {  	[hbm4b:s30+s6] =	stream.strided.scatter [tilespmem:s6], [sflag:$0x7], $0x4000, s8, s6, $0x38;
	[tilespmem:$0x18400] =	vst v63  }
0x14f: {  	_ =	swait.ge [sflag:s9], $0x4000  }
0x150: {  	[sflag:s9] =	ssyncset.done $0x0  }
0x151: {  	s31 =	rddreg [dreg:$0x13];
	[sflag:s9] =	ssyncadd.s32 $0xFFFFC000  }
0x152: {  	[hbm4b:s31+s6] =	stream.strided.scatter [tilespmem:s7], [sflag:$0x8], $0x4000, s8, s6, $0x38;
	[tilespmem:$0x18400] =	vst v63  }
0x153: {  	_ =	swait.ge [sflag:s15], $0x4000  }
0x154: {  	[sflag:s15] =	ssyncset.done $0x0  }
0x155: {  	[sflag:s15] =	ssyncadd.s32 $0xFFFFC000  }
0x156: {  	_ =	swait.ge [sflag:s14], $0x4000  }
0x157: {  	[sflag:s14] =	ssyncset.done $0x0  }
0x158: {  	[sflag:s14] =	ssyncadd.s32 $0xFFFFC000  }
0x159: {  	_ =	swait.ge [sflag:s12], $0x4000  }
0x15a: {  	[sflag:s12] =	ssyncset.done $0x0  }
0x15b: {  	[sflag:s12] =	ssyncadd.s32 $0xFFFFC000  }
0x15c: {  	_ =	swait.ge [sflag:s10], $0x4000  }
0x15d: {  	[sflag:s10] =	ssyncset.done $0x0  }
0x15e: {  	[sflag:s10] =	ssyncadd.s32 $0xFFFFC000  }
0x15f: {  	_ =	swait.ge [sflag:s4], $0x4000  }
0x160: {  	[sflag:s4] =	ssyncset.done $0x0  }
0x161: {  	[sflag:s4] =	ssyncadd.s32 $0xFFFFC000  }
0x162: {  	_ =	swait.ge [sflag:s3], $0x4000  }
0x163: {  	[sflag:s3] =	ssyncset.done $0x0  }
0x164: {  	[sflag:s3] =	ssyncadd.s32 $0xFFFFC000  }
0x165: {  	_ =	sfence.sel $0x180000  }
0x166: {  	[bflag:$0x0] =	sbarrier.arrive $0xFFFF  }
0x167: {  	_ =	strace $0x90000047  }
0x168: {  	[bflag:$0x2] =	sbarrier.arrive $0xFFFF  }
0x169: {  	p0 =	sne.s32 s16, $0x0;
	s0 =	rddreg [dreg:$0x3]  }
0x16a: {  	s0 =	sadd.s32 @!p0 $0x100000, s0  }
0x16b: {  	[sflag:s0] =	ssyncadd.tile.s32 @!p0 $0x1;
	_ =	shalt  }
.LBB2_6:
.Ltmp3:
0x16c: {  	(pc) =	sbr.rel .LBB2_5-.Ltmp3, $2  }
0x16d: {  	_ =	sdelay $0x2  }
0x16e: {  	s16 =	stileid.u32  }
.Lfunc_end2:
_tile_overlayer_lowered:
.L_overlay_start_2:
0x16f: {  	(tag) =	ssettag $0x2  }
0x170: {  	s0 =	rddreg [dreg:$0x0];
	s2 =	stileid.u32  }
0x171: {  	s1 =	rddreg [dreg:$0x1];
	p0 =	sne.s32 s2, $0x0  }
0x172: {  	s3 =	rddreg [dreg:$0x2];
	[bflag:$0x3] =	sbarrier.arrive $0xFFFF;
	s2 =	simm.s32 @!p0 $0x1C0E  }
0x173: {  	[timem:s3], [sflag:s2] =	dma.local @!p0 [hbm:s0], s1  }
0x174: {  	s0 =	simm.s32 @!p0 $0xE  }
0x175: {  	_ =	swait.ge @!p0 [sflag:s0], s1  }
0x176: {  	s1 =	ssub.s32 @!p0 $0x0, s1;
	[sflag:s0] =	ssyncset.done @!p0 $0x0  }
0x177: {  	[sflag:s0] =	ssyncadd.s32 @!p0 s1  }
0x178: {  	[bflag:$0x3] =	sbarrier.arrive $0xFFFF  }
0x179: {  	_ =	shalt  }

</sc_bundles>
